<compile_context>
chip_gen: v7x
topology: tpu7x:2x2x1
jax: 0.10.2.dev20260603
libtpu: 0.0.44.dev20260713+nightly
codegen_flags: <defaults>
</compile_context>

<pallas_src>
import functools

import jax
import jax.numpy as jnp
from jax import lax
from jax.experimental import pallas as pl
from jax.experimental.pallas import tpu as pltpu
from jax.experimental.pallas import tpu_sc as plsc

N = 10000
E = 320000
D = 128
NC = 2
NS = 16
NW = NC * NS
K = 125
EPT = E // NW
NCH = EPT // K
ROWS_PT = N // NS

_mesh = plsc.VectorSubcoreMesh(core_axis_name="c", subcore_axis_name="s")


def _flush(acc, out_hbm, c, s):
    fbase = s * 624
    pltpu.sync_copy(acc.at[pl.ds(fbase, 624), :],
                    out_hbm.at[c, pl.ds(fbase, 624), :])

    @pl.when(s == NS - 1)
    def _():
        pltpu.sync_copy(acc.at[pl.ds(9984, 16), :],
                        out_hbm.at[c, pl.ds(9984, 16), :])


@functools.partial(
    pl.kernel,
    out_type=jax.ShapeDtypeStruct((NC, N, D), jnp.float32),
    mesh=_mesh,
    scratch_types=[
        pltpu.VMEM((NCH, K), jnp.int32),
        pltpu.VMEM((K, D), jnp.float32),
        pltpu.VMEM_SHARED((N, D), jnp.float32),
    ],
)
def _deg_kernel(dst_hbm, onehot_hbm, zeros_hbm, out_hbm,
                dstv, onehot, acc):
    c = lax.axis_index("c")
    s = lax.axis_index("s")
    wid = c * NS + s

    pltpu.sync_copy(onehot_hbm, onehot)
    pltpu.sync_copy(zeros_hbm, acc.at[pl.ds(s * 624, 624), :])

    @pl.when(s == NS - 1)
    def _():
        pltpu.sync_copy(zeros_hbm.at[pl.ds(0, 16), :],
                        acc.at[pl.ds(9984, 16), :])

    pltpu.sync_copy(dst_hbm.at[wid], dstv)
    plsc.subcore_barrier()

    def chunk(i, carry):
        pltpu.sync_copy(onehot, acc.at[dstv.at[i]], add=True)
        return carry
    lax.fori_loop(0, NCH, chunk, 0)

    plsc.subcore_barrier()
    _flush(acc, out_hbm, c, s)


@functools.partial(
    pl.kernel,
    out_type=jax.ShapeDtypeStruct((NC, N, D), jnp.float32),
    mesh=_mesh,
    scratch_types=[
        pltpu.VMEM((NCH, K), jnp.int32),
        pltpu.VMEM((NCH, K), jnp.int32),
        pltpu.VMEM((K, D), jnp.float32),
        pltpu.VMEM_SHARED((N, D), jnp.float32),
        pltpu.SemaphoreType.DMA,
    ],
)
def _agg_kernel(src_hbm, dst_hbm, feat_hbm, zeros_hbm, out_hbm,
                srcv, dstv, rows, acc, gsem):
    c = lax.axis_index("c")
    s = lax.axis_index("s")
    wid = c * NS + s

    zb = s * 624
    pltpu.sync_copy(zeros_hbm, acc.at[pl.ds(zb, 624), :])

    @pl.when(s == NS - 1)
    def _():
        pltpu.sync_copy(zeros_hbm.at[pl.ds(0, 16), :],
                        acc.at[pl.ds(9984, 16), :])

    pltpu.sync_copy(src_hbm.at[wid], srcv)
    pltpu.sync_copy(dst_hbm.at[wid], dstv)
    plsc.subcore_barrier()

    def chunk(i, carry):
        pltpu.async_copy(feat_hbm.at[srcv.at[i]], rows, gsem).wait()
        pltpu.sync_copy(rows, acc.at[dstv.at[i]], add=True)
        return carry
    lax.fori_loop(0, NCH, chunk, 0)

    plsc.subcore_barrier()
    _flush(acc, out_hbm, c, s)


def _dense1_body(degp_ref, x_ref, w1_ref, dinv_ref, hs1_ref):
    deg = (degp_ref[0, :, 0:1] + degp_ref[1, :, 0:1]) + 1.0
    dinv = lax.rsqrt(deg)
    dinv_ref[...] = dinv
    h = jnp.dot(x_ref[...], w1_ref[...], preferred_element_type=jnp.float32)
    hs1_ref[...] = h * dinv


_dense1 = pl.pallas_call(
    _dense1_body,
    out_shape=(
        jax.ShapeDtypeStruct((N, 1), jnp.float32),
        jax.ShapeDtypeStruct((N, D), jnp.float32),
    ),
)


def _dense2_body(aggp_ref, hs1_ref, dinv_ref, b1_ref, g_ref, bt_ref, w2_ref,
                 hs2_ref):
    dinv = dinv_ref[...]
    out1 = dinv * (aggp_ref[0] + aggp_ref[1] + hs1_ref[...]) + b1_ref[...]
    mean = jnp.mean(out1, axis=0, keepdims=True)
    ctr = out1 - mean
    var = jnp.mean(ctr * ctr, axis=0, keepdims=True)
    y = ctr * lax.rsqrt(var + 1e-5) * g_ref[...] + bt_ref[...]
    y = jnp.maximum(y, 0.0)
    h2 = jnp.dot(y, w2_ref[...], preferred_element_type=jnp.float32)
    hs2_ref[...] = h2 * dinv


_dense2 = pl.pallas_call(
    _dense2_body,
    out_shape=jax.ShapeDtypeStruct((N, D), jnp.float32),
)


def _dense3_body(aggp_ref, hs2_ref, dinv_ref, b2_ref, out_ref):
    agg = aggp_ref[0] + aggp_ref[1] + hs2_ref[...]
    out_ref[...] = dinv_ref[...] * agg + b2_ref[...]


_dense3 = pl.pallas_call(
    _dense3_body,
    out_shape=jax.ShapeDtypeStruct((N, D), jnp.float32),
)


def kernel(x, edge_index, W1, b1, gamma, beta, W2, b2):
    src3d = edge_index[0].reshape(NW, NCH, K)
    dst3d = edge_index[1].reshape(NW, NCH, K)
    zeros = jnp.zeros((624, D), jnp.float32)
    onehot = jnp.zeros((K, D), jnp.float32).at[:, 0].set(1.0)
    degp = _deg_kernel(dst3d, onehot, zeros)
    dinv, hs1 = _dense1(degp, x, W1)
    aggp1 = _agg_kernel(src3d, dst3d, hs1, zeros)
    hs2 = _dense2(aggp1, hs1, dinv,
                  b1.reshape(1, D), gamma.reshape(1, D), beta.reshape(1, D),
                  W2)
    aggp2 = _agg_kernel(src3d, dst3d, hs2, zeros)
    return _dense3(aggp2, hs2, dinv, b2.reshape(1, D))

# --- scband reference (transcript-rebuilt; emitter-appended) ---
"""Pipeline reference for scband-gcn-5385888989316 (READ-ONLY COPY).

The authoritative reference and input builder live on the scoring server;
editing this copy changes nothing except your own understanding.
"""

import jax, jax.numpy as jnp
import numpy as np

N_NODES = 10000
N_EDGES = 320000
IN_FEATS = 128
HIDDEN = 128
OUT_FEATS = 128


def setup_inputs(seed: int = 0) -> dict:
    key = jax.random.key(seed)
    ks = jax.random.split(key, 8)
    x = jax.random.normal(ks[0], (N_NODES, IN_FEATS), dtype=jnp.float32)
    edge_index = jax.random.randint(ks[1], (2, N_EDGES), 0, N_NODES, dtype=jnp.int64 if jax.config.jax_enable_x64 else jnp.int32).astype(jnp.int32)
    W1 = jax.random.normal(ks[2], (IN_FEATS, HIDDEN), dtype=jnp.float32) * (1.0 / np.sqrt(IN_FEATS))
    b1 = jnp.zeros((HIDDEN,), dtype=jnp.float32)
    gamma = jnp.ones((HIDDEN,), dtype=jnp.float32)
    beta = jnp.zeros((HIDDEN,), dtype=jnp.float32)
    W2 = jax.random.normal(ks[3], (HIDDEN, OUT_FEATS), dtype=jnp.float32) * (1.0 / np.sqrt(HIDDEN))
    b2 = jnp.zeros((OUT_FEATS,), dtype=jnp.float32)
    return {"x": x, "edge_index": edge_index, "W1": W1, "b1": b1, "gamma": gamma, "beta": beta, "W2": W2, "b2": b2}


def gcn_conv(x, W, b, edge_index, num_nodes):
    # GCNConv with symmetric normalization and self-loops (edge_weight=None -> all ones)
    loop = jnp.arange(num_nodes, dtype=edge_index.dtype)
    src = jnp.concatenate([edge_index[0], loop])
    dst = jnp.concatenate([edge_index[1], loop])
    deg = jnp.zeros((num_nodes,), dtype=x.dtype).at[dst].add(1.0)
    dinv = jnp.where(deg > 0, 1.0 / jnp.sqrt(deg), 0.0)
    norm = dinv[src] * dinv[dst]
    h = x @ W
    msg = h[src] * norm[:, None]
    out = jnp.zeros((num_nodes, W.shape[1]), dtype=x.dtype).at[dst].add(msg)
    return out + b


def batch_norm(x, gamma, beta, eps=1e-5):
    mean = jnp.mean(x, axis=0)
    var = jnp.mean((x - mean) ** 2, axis=0)
    return (x - mean) / jnp.sqrt(var + eps) * gamma + beta


def reference(x, edge_index, W1, b1, gamma, beta, W2, b2):
    num_nodes = x.shape[0]
    # dropout is identity in eval mode
    h = gcn_conv(x, W1, b1, edge_index, num_nodes)
    h = batch_norm(h, gamma, beta)
    h = jax.nn.relu(h)
    out = gcn_conv(h, W2, b2, edge_index, num_nodes)
    return out

if __name__ == "__main__":
    import jax
    _d = setup_inputs()
    print(jax.jit(kernel)(*tuple(_d.values())))

</pallas_src>

<mosaic_0001>
#map = affine_map<(d0, d1) -> (0, 0, 0)>
#map1 = affine_map<(d0, d1) -> (0, 0)>
module attributes {stable_mosaic.version = 14 : i64} {
  func.func @_agg_kernel(%arg0: i32, %arg1: i32, %arg2: memref<32x80x125xi32, #tpu.memory_space<hbm>>, %arg3: memref<32x80x125xi32, #tpu.memory_space<hbm>>, %arg4: memref<10000x128xf32, #tpu.memory_space<hbm>>, %arg5: memref<624x128xf32, #tpu.memory_space<hbm>>, %arg6: memref<2x10000x128xf32, #tpu.memory_space<hbm>>, %arg7: memref<80x125xi32, #tpu.memory_space<vmem>>, %arg8: memref<80x125xi32, #tpu.memory_space<vmem>>, %arg9: memref<125x128xf32, #tpu.memory_space<vmem>>, %arg10: memref<10000x128xf32, #tpu.memory_space<vmem_shared>>, %arg11: memref<!tpu.dma_semaphore, #tpu.memory_space<semaphore_mem>>) attributes {dimension_semantics = [#tpu.dimension_semantics<core_parallel>, #tpu.dimension_semantics<subcore_parallel>], iteration_bounds = array<i64: 2, 16>, scalar_prefetch = 0 : i64, scratch_operands = 5 : i64, tpu.core_type = #tpu.core_type<sc_vector_subcore>, window_params = [{transform_indices = #map}, {transform_indices = #map}, {transform_indices = #map1}, {transform_indices = #map1}, {transform_indices = #map}]} {
    %mul3A = arith.constant 16 : i32
    %mul3A_0 = arith.muli %arg0, %mul3A : i32
    %add3A = arith.addi %mul3A_0, %arg1 : i32
    %mul3A_1 = arith.constant 624 : i32
    %mul3A_2 = arith.muli %arg1, %mul3A_1 : i32
    "tpu.region"() ({
      %run_scoped3A = tpu.sem_alloc : memref<!tpu.dma_semaphore, #tpu.memory_space<semaphore_mem>>
      %dma_start3A = arith.constant 0 : i32
      %dma_start3A_18 = tpu.memref_slice %arg10[%mul3A_2, %dma_start3A] : memref<10000x128xf32, #tpu.memory_space<vmem_shared>> -> memref<624x128xf32, #tpu.memory_space<vmem_shared>>
      tpu.enqueue_dma source(%arg5 : memref<624x128xf32, #tpu.memory_space<hbm>>) target(%dma_start3A_18 : memref<624x128xf32, #tpu.memory_space<vmem_shared>>) target_semaphore(%run_scoped3A : memref<!tpu.dma_semaphore, #tpu.memory_space<semaphore_mem>>)
      %dma_wait3A = arith.constant 0 : i32
      %dma_wait3A_19 = tpu.memref_slice %arg10[%mul3A_2, %dma_wait3A] : memref<10000x128xf32, #tpu.memory_space<vmem_shared>> -> memref<624x128xf32, #tpu.memory_space<vmem_shared>>
      tpu.wait_dma2 semaphore(%run_scoped3A : memref<!tpu.dma_semaphore, #tpu.memory_space<semaphore_mem>>) src(%arg5 : memref<624x128xf32, #tpu.memory_space<hbm>>) dst(%dma_wait3A_19 : memref<624x128xf32, #tpu.memory_space<vmem_shared>>)
      tpu.yield
    }) : () -> ()
    %eq3A = arith.constant 15 : i32
    %eq3A_3 = arith.cmpi eq, %arg1, %eq3A : i32
    %convert_element_type3A = arith.extui %eq3A_3 : i1 to i32
    %cond3A = arith.constant 0 : i32
    %cond3A_4 = arith.cmpi ne, %convert_element_type3A, %cond3A : i32
    scf.if %cond3A_4 {
      "tpu.region"() ({
        %run_scoped3A = tpu.sem_alloc : memref<!tpu.dma_semaphore, #tpu.memory_space<semaphore_mem>>
        %dma_start3A = arith.constant 9984 : i32
        %dma_start3A_18 = arith.constant 0 : i32
        %dma_start3A_19 = tpu.memref_slice %arg10[%dma_start3A, %dma_start3A_18] : memref<10000x128xf32, #tpu.memory_space<vmem_shared>> -> memref<16x128xf32, #tpu.memory_space<vmem_shared>>
        %dma_start3A_20 = arith.constant 0 : i32
        %dma_start3A_21 = arith.constant 0 : i32
        %dma_start3A_22 = tpu.memref_slice %arg5[%dma_start3A_20, %dma_start3A_21] : memref<624x128xf32, #tpu.memory_space<hbm>> -> memref<16x128xf32, #tpu.memory_space<hbm>>
        tpu.enqueue_dma source(%dma_start3A_22 : memref<16x128xf32, #tpu.memory_space<hbm>>) target(%dma_start3A_19 : memref<16x128xf32, #tpu.memory_space<vmem_shared>>) target_semaphore(%run_scoped3A : memref<!tpu.dma_semaphore, #tpu.memory_space<semaphore_mem>>)
        %dma_wait3A = arith.constant 9984 : i32
        %dma_wait3A_23 = arith.constant 0 : i32
        %dma_wait3A_24 = tpu.memref_slice %arg10[%dma_wait3A, %dma_wait3A_23] : memref<10000x128xf32, #tpu.memory_space<vmem_shared>> -> memref<16x128xf32, #tpu.memory_space<vmem_shared>>
        %dma_wait3A_25 = arith.constant 0 : i32
        %dma_wait3A_26 = arith.constant 0 : i32
        %dma_wait3A_27 = tpu.memref_slice %arg5[%dma_wait3A_25, %dma_wait3A_26] : memref<624x128xf32, #tpu.memory_space<hbm>> -> memref<16x128xf32, #tpu.memory_space<hbm>>
        tpu.wait_dma2 semaphore(%run_scoped3A : memref<!tpu.dma_semaphore, #tpu.memory_space<semaphore_mem>>) src(%dma_wait3A_27 : memref<16x128xf32, #tpu.memory_space<hbm>>) dst(%dma_wait3A_24 : memref<16x128xf32, #tpu.memory_space<vmem_shared>>)
        tpu.yield
      }) : () -> ()
    } else {
    }
    "tpu.region"() ({
      %run_scoped3A = tpu.sem_alloc : memref<!tpu.dma_semaphore, #tpu.memory_space<semaphore_mem>>
      %dma_start3A = arith.constant 0 : i32
      %dma_start3A_18 = arith.constant 0 : i32
      %dma_start3A_19 = tpu.memref_slice %arg2[%add3A, %dma_start3A, %dma_start3A_18] : memref<32x80x125xi32, #tpu.memory_space<hbm>> -> memref<1x80x125xi32, #tpu.memory_space<hbm>>
      %dma_start3A_20 = tpu.memref_squeeze %dma_start3A_19 : memref<1x80x125xi32, #tpu.memory_space<hbm>> -> memref<80x125xi32, #tpu.memory_space<hbm>>
      %dma_start3A_21 = arith.constant 0 : i32
      %dma_start3A_22 = arith.constant 0 : i32
      %dma_start3A_23 = tpu.memref_slice %arg2[%add3A, %dma_start3A_21, %dma_start3A_22] : memref<32x80x125xi32, #tpu.memory_space<hbm>> -> memref<1x80x125xi32, #tpu.memory_space<hbm>>
      %dma_start3A_24 = tpu.memref_squeeze %dma_start3A_23 : memref<1x80x125xi32, #tpu.memory_space<hbm>> -> memref<80x125xi32, #tpu.memory_space<hbm>>
      tpu.enqueue_dma source(%dma_start3A_24 : memref<80x125xi32, #tpu.memory_space<hbm>>) target(%arg7 : memref<80x125xi32, #tpu.memory_space<vmem>>) target_semaphore(%run_scoped3A : memref<!tpu.dma_semaphore, #tpu.memory_space<semaphore_mem>>)
      %dma_wait3A = arith.constant 0 : i32
      %dma_wait3A_25 = arith.constant 0 : i32
      %dma_wait3A_26 = tpu.memref_slice %arg2[%add3A, %dma_wait3A, %dma_wait3A_25] : memref<32x80x125xi32, #tpu.memory_space<hbm>> -> memref<1x80x125xi32, #tpu.memory_space<hbm>>
      %dma_wait3A_27 = tpu.memref_squeeze %dma_wait3A_26 : memref<1x80x125xi32, #tpu.memory_space<hbm>> -> memref<80x125xi32, #tpu.memory_space<hbm>>
      %dma_wait3A_28 = arith.constant 0 : i32
      %dma_wait3A_29 = arith.constant 0 : i32
      %dma_wait3A_30 = tpu.memref_slice %arg2[%add3A, %dma_wait3A_28, %dma_wait3A_29] : memref<32x80x125xi32, #tpu.memory_space<hbm>> -> memref<1x80x125xi32, #tpu.memory_space<hbm>>
      %dma_wait3A_31 = tpu.memref_squeeze %dma_wait3A_30 : memref<1x80x125xi32, #tpu.memory_space<hbm>> -> memref<80x125xi32, #tpu.memory_space<hbm>>
      tpu.wait_dma2 semaphore(%run_scoped3A : memref<!tpu.dma_semaphore, #tpu.memory_space<semaphore_mem>>) src(%dma_wait3A_31 : memref<80x125xi32, #tpu.memory_space<hbm>>) dst(%arg7 : memref<80x125xi32, #tpu.memory_space<vmem>>)
      tpu.yield
    }) : () -> ()
    "tpu.region"() ({
      %run_scoped3A = tpu.sem_alloc : memref<!tpu.dma_semaphore, #tpu.memory_space<semaphore_mem>>
      %dma_start3A = arith.constant 0 : i32
      %dma_start3A_18 = arith.constant 0 : i32
      %dma_start3A_19 = tpu.memref_slice %arg3[%add3A, %dma_start3A, %dma_start3A_18] : memref<32x80x125xi32, #tpu.memory_space<hbm>> -> memref<1x80x125xi32, #tpu.memory_space<hbm>>
      %dma_start3A_20 = tpu.memref_squeeze %dma_start3A_19 : memref<1x80x125xi32, #tpu.memory_space<hbm>> -> memref<80x125xi32, #tpu.memory_space<hbm>>
      %dma_start3A_21 = arith.constant 0 : i32
      %dma_start3A_22 = arith.constant 0 : i32
      %dma_start3A_23 = tpu.memref_slice %arg3[%add3A, %dma_start3A_21, %dma_start3A_22] : memref<32x80x125xi32, #tpu.memory_space<hbm>> -> memref<1x80x125xi32, #tpu.memory_space<hbm>>
      %dma_start3A_24 = tpu.memref_squeeze %dma_start3A_23 : memref<1x80x125xi32, #tpu.memory_space<hbm>> -> memref<80x125xi32, #tpu.memory_space<hbm>>
      tpu.enqueue_dma source(%dma_start3A_24 : memref<80x125xi32, #tpu.memory_space<hbm>>) target(%arg8 : memref<80x125xi32, #tpu.memory_space<vmem>>) target_semaphore(%run_scoped3A : memref<!tpu.dma_semaphore, #tpu.memory_space<semaphore_mem>>)
      %dma_wait3A = arith.constant 0 : i32
      %dma_wait3A_25 = arith.constant 0 : i32
      %dma_wait3A_26 = tpu.memref_slice %arg3[%add3A, %dma_wait3A, %dma_wait3A_25] : memref<32x80x125xi32, #tpu.memory_space<hbm>> -> memref<1x80x125xi32, #tpu.memory_space<hbm>>
      %dma_wait3A_27 = tpu.memref_squeeze %dma_wait3A_26 : memref<1x80x125xi32, #tpu.memory_space<hbm>> -> memref<80x125xi32, #tpu.memory_space<hbm>>
      %dma_wait3A_28 = arith.constant 0 : i32
      %dma_wait3A_29 = arith.constant 0 : i32
      %dma_wait3A_30 = tpu.memref_slice %arg3[%add3A, %dma_wait3A_28, %dma_wait3A_29] : memref<32x80x125xi32, #tpu.memory_space<hbm>> -> memref<1x80x125xi32, #tpu.memory_space<hbm>>
      %dma_wait3A_31 = tpu.memref_squeeze %dma_wait3A_30 : memref<1x80x125xi32, #tpu.memory_space<hbm>> -> memref<80x125xi32, #tpu.memory_space<hbm>>
      tpu.wait_dma2 semaphore(%run_scoped3A : memref<!tpu.dma_semaphore, #tpu.memory_space<semaphore_mem>>) src(%dma_wait3A_31 : memref<80x125xi32, #tpu.memory_space<hbm>>) dst(%arg8 : memref<80x125xi32, #tpu.memory_space<vmem>>)
      tpu.yield
    }) : () -> ()
    %barrier3A = arith.constant 0 : index
    tpu.barrier barrier_id(%barrier3A)
    %scan3A = arith.constant 0 : i32
    %scan3A_5 = arith.constant 0 : i32
    %scan3A_6 = arith.constant 80 : i32
    %scan3A_7 = arith.addi %scan3A_5, %scan3A_6 : i32
    %scan3A_8 = arith.constant 1 : i32
    scf.for %scan3A_18 = %scan3A_5 to %scan3A_7 step %scan3A_8  : i32 {
      %dma_start3A = arith.constant 0 : i32
      %dma_start3A_19 = tpu.memref_slice %arg7[%scan3A_18, %dma_start3A] : memref<80x125xi32, #tpu.memory_space<vmem>> -> memref<1x125xi32, #tpu.memory_space<vmem>>
      %dma_start3A_20 = tpu.memref_squeeze %dma_start3A_19 : memref<1x125xi32, #tpu.memory_space<vmem>> -> memref<125xi32, #tpu.memory_space<vmem>>
      %dma_start3A_21 = arith.constant 0 : i32
      %dma_start3A_22 = arith.constant 0 : i32
      %dma_start3A_23 = tpu.memref_slice %arg4[%dma_start3A_21, %dma_start3A_22] : memref<10000x128xf32, #tpu.memory_space<hbm>> -> memref<10000x128xf32, #tpu.memory_space<hbm>>
      tpu.enqueue_indirect_dma source(%dma_start3A_23 : memref<10000x128xf32, #tpu.memory_space<hbm>>) target(%arg9 : memref<125x128xf32, #tpu.memory_space<vmem>>) offsets(%dma_start3A_20 : memref<125xi32, #tpu.memory_space<vmem>>) semaphore(%arg11 : memref<!tpu.dma_semaphore, #tpu.memory_space<semaphore_mem>>)
      %dma_wait3A = arith.constant 0 : i32
      %dma_wait3A_24 = tpu.memref_slice %arg7[%scan3A_18, %dma_wait3A] : memref<80x125xi32, #tpu.memory_space<vmem>> -> memref<1x125xi32, #tpu.memory_space<vmem>>
      %dma_wait3A_25 = tpu.memref_squeeze %dma_wait3A_24 : memref<1x125xi32, #tpu.memory_space<vmem>> -> memref<125xi32, #tpu.memory_space<vmem>>
      %dma_wait3A_26 = arith.constant 0 : i32
      %dma_wait3A_27 = arith.constant 0 : i32
      %dma_wait3A_28 = tpu.memref_slice %arg4[%dma_wait3A_26, %dma_wait3A_27] : memref<10000x128xf32, #tpu.memory_space<hbm>> -> memref<10000x128xf32, #tpu.memory_space<hbm>>
      tpu.wait_indirect_dma semaphore(%arg11 : memref<!tpu.dma_semaphore, #tpu.memory_space<semaphore_mem>>) src(%dma_wait3A_28 : memref<10000x128xf32, #tpu.memory_space<hbm>>) dst(%arg9 : memref<125x128xf32, #tpu.memory_space<vmem>>)
      "tpu.region"() ({
        %run_scoped3A = tpu.sem_alloc : memref<!tpu.dma_semaphore, #tpu.memory_space<semaphore_mem>>
        %dma_start3A_29 = arith.constant 0 : i32
        %dma_start3A_30 = tpu.memref_slice %arg8[%scan3A_18, %dma_start3A_29] : memref<80x125xi32, #tpu.memory_space<vmem>> -> memref<1x125xi32, #tpu.memory_space<vmem>>
        %dma_start3A_31 = tpu.memref_squeeze %dma_start3A_30 : memref<1x125xi32, #tpu.memory_space<vmem>> -> memref<125xi32, #tpu.memory_space<vmem>>
        %dma_start3A_32 = arith.constant 0 : i32
        %dma_start3A_33 = arith.constant 0 : i32
        %dma_start3A_34 = tpu.memref_slice %arg10[%dma_start3A_32, %dma_start3A_33] : memref<10000x128xf32, #tpu.memory_space<vmem_shared>> -> memref<10000x128xf32, #tpu.memory_space<vmem_shared>>
        tpu.enqueue_indirect_dma source(%arg9 : memref<125x128xf32, #tpu.memory_space<vmem>>) target(%dma_start3A_34 : memref<10000x128xf32, #tpu.memory_space<vmem_shared>>) offsets(%dma_start3A_31 : memref<125xi32, #tpu.memory_space<vmem>>) semaphore(%run_scoped3A : memref<!tpu.dma_semaphore, #tpu.memory_space<semaphore_mem>>) {add = true}
        %dma_wait3A_35 = arith.constant 0 : i32
        %dma_wait3A_36 = tpu.memref_slice %arg8[%scan3A_18, %dma_wait3A_35] : memref<80x125xi32, #tpu.memory_space<vmem>> -> memref<1x125xi32, #tpu.memory_space<vmem>>
        %dma_wait3A_37 = tpu.memref_squeeze %dma_wait3A_36 : memref<1x125xi32, #tpu.memory_space<vmem>> -> memref<125xi32, #tpu.memory_space<vmem>>
        %dma_wait3A_38 = arith.constant 0 : i32
        %dma_wait3A_39 = arith.constant 0 : i32
        %dma_wait3A_40 = tpu.memref_slice %arg10[%dma_wait3A_38, %dma_wait3A_39] : memref<10000x128xf32, #tpu.memory_space<vmem_shared>> -> memref<10000x128xf32, #tpu.memory_space<vmem_shared>>
        tpu.wait_indirect_dma semaphore(%run_scoped3A : memref<!tpu.dma_semaphore, #tpu.memory_space<semaphore_mem>>) src(%arg9 : memref<125x128xf32, #tpu.memory_space<vmem>>) dst(%dma_wait3A_40 : memref<10000x128xf32, #tpu.memory_space<vmem_shared>>)
        tpu.yield
      }) : () -> ()
    }
    %scan3A_9 = arith.constant 80 : i32
    %barrier3A_10 = arith.constant 0 : index
    tpu.barrier barrier_id(%barrier3A_10)
    %mul3A_11 = arith.constant 624 : i32
    %mul3A_12 = arith.muli %arg1, %mul3A_11 : i32
    "tpu.region"() ({
      %run_scoped3A = tpu.sem_alloc : memref<!tpu.dma_semaphore, #tpu.memory_space<semaphore_mem>>
      %dma_start3A = arith.constant 0 : i32
      %dma_start3A_18 = tpu.memref_slice %arg6[%arg0, %mul3A_12, %dma_start3A] : memref<2x10000x128xf32, #tpu.memory_space<hbm>> -> memref<1x624x128xf32, #tpu.memory_space<hbm>>
      %dma_start3A_19 = tpu.memref_squeeze %dma_start3A_18 : memref<1x624x128xf32, #tpu.memory_space<hbm>> -> memref<624x128xf32, #tpu.memory_space<hbm>>
      %dma_start3A_20 = arith.constant 0 : i32
      %dma_start3A_21 = tpu.memref_slice %arg10[%mul3A_12, %dma_start3A_20] : memref<10000x128xf32, #tpu.memory_space<vmem_shared>> -> memref<624x128xf32, #tpu.memory_space<vmem_shared>>
      tpu.enqueue_dma source(%dma_start3A_21 : memref<624x128xf32, #tpu.memory_space<vmem_shared>>) target(%dma_start3A_19 : memref<624x128xf32, #tpu.memory_space<hbm>>) target_semaphore(%run_scoped3A : memref<!tpu.dma_semaphore, #tpu.memory_space<semaphore_mem>>)
      %dma_wait3A = arith.constant 0 : i32
      %dma_wait3A_22 = tpu.memref_slice %arg6[%arg0, %mul3A_12, %dma_wait3A] : memref<2x10000x128xf32, #tpu.memory_space<hbm>> -> memref<1x624x128xf32, #tpu.memory_space<hbm>>
      %dma_wait3A_23 = tpu.memref_squeeze %dma_wait3A_22 : memref<1x624x128xf32, #tpu.memory_space<hbm>> -> memref<624x128xf32, #tpu.memory_space<hbm>>
      %dma_wait3A_24 = arith.constant 0 : i32
      %dma_wait3A_25 = tpu.memref_slice %arg10[%mul3A_12, %dma_wait3A_24] : memref<10000x128xf32, #tpu.memory_space<vmem_shared>> -> memref<624x128xf32, #tpu.memory_space<vmem_shared>>
      tpu.wait_dma2 semaphore(%run_scoped3A : memref<!tpu.dma_semaphore, #tpu.memory_space<semaphore_mem>>) src(%dma_wait3A_25 : memref<624x128xf32, #tpu.memory_space<vmem_shared>>) dst(%dma_wait3A_23 : memref<624x128xf32, #tpu.memory_space<hbm>>)
      tpu.yield
    }) : () -> ()
    %eq3A_13 = arith.constant 15 : i32
    %eq3A_14 = arith.cmpi eq, %arg1, %eq3A_13 : i32
    %convert_element_type3A_15 = arith.extui %eq3A_14 : i1 to i32
    %cond3A_16 = arith.constant 0 : i32
    %cond3A_17 = arith.cmpi ne, %convert_element_type3A_15, %cond3A_16 : i32
    scf.if %cond3A_17 {
      "tpu.region"() ({
        %run_scoped3A = tpu.sem_alloc : memref<!tpu.dma_semaphore, #tpu.memory_space<semaphore_mem>>
        %dma_start3A = arith.constant 9984 : i32
        %dma_start3A_18 = arith.constant 0 : i32
        %dma_start3A_19 = tpu.memref_slice %arg6[%arg0, %dma_start3A, %dma_start3A_18] : memref<2x10000x128xf32, #tpu.memory_space<hbm>> -> memref<1x16x128xf32, #tpu.memory_space<hbm>>
        %dma_start3A_20 = tpu.memref_squeeze %dma_start3A_19 : memref<1x16x128xf32, #tpu.memory_space<hbm>> -> memref<16x128xf32, #tpu.memory_space<hbm>>
        %dma_start3A_21 = arith.constant 9984 : i32
        %dma_start3A_22 = arith.constant 0 : i32
        %dma_start3A_23 = tpu.memref_slice %arg10[%dma_start3A_21, %dma_start3A_22] : memref<10000x128xf32, #tpu.memory_space<vmem_shared>> -> memref<16x128xf32, #tpu.memory_space<vmem_shared>>
        tpu.enqueue_dma source(%dma_start3A_23 : memref<16x128xf32, #tpu.memory_space<vmem_shared>>) target(%dma_start3A_20 : memref<16x128xf32, #tpu.memory_space<hbm>>) target_semaphore(%run_scoped3A : memref<!tpu.dma_semaphore, #tpu.memory_space<semaphore_mem>>)
        %dma_wait3A = arith.constant 9984 : i32
        %dma_wait3A_24 = arith.constant 0 : i32
        %dma_wait3A_25 = tpu.memref_slice %arg6[%arg0, %dma_wait3A, %dma_wait3A_24] : memref<2x10000x128xf32, #tpu.memory_space<hbm>> -> memref<1x16x128xf32, #tpu.memory_space<hbm>>
        %dma_wait3A_26 = tpu.memref_squeeze %dma_wait3A_25 : memref<1x16x128xf32, #tpu.memory_space<hbm>> -> memref<16x128xf32, #tpu.memory_space<hbm>>
        %dma_wait3A_27 = arith.constant 9984 : i32
        %dma_wait3A_28 = arith.constant 0 : i32
        %dma_wait3A_29 = tpu.memref_slice %arg10[%dma_wait3A_27, %dma_wait3A_28] : memref<10000x128xf32, #tpu.memory_space<vmem_shared>> -> memref<16x128xf32, #tpu.memory_space<vmem_shared>>
        tpu.wait_dma2 semaphore(%run_scoped3A : memref<!tpu.dma_semaphore, #tpu.memory_space<semaphore_mem>>) src(%dma_wait3A_29 : memref<16x128xf32, #tpu.memory_space<vmem_shared>>) dst(%dma_wait3A_26 : memref<16x128xf32, #tpu.memory_space<hbm>>)
        tpu.yield
      }) : () -> ()
    } else {
    }
    return
  }
}

#map = affine_map<(d0, d1) -> (0, 0, 0)>
#map1 = affine_map<(d0, d1) -> (0, 0)>
module attributes {stable_mosaic.version = 14 : i64} {
  func.func @_deg_kernel(%arg0: i32, %arg1: i32, %arg2: memref<32x80x125xi32, #tpu.memory_space<hbm>>, %arg3: memref<125x128xf32, #tpu.memory_space<hbm>>, %arg4: memref<624x128xf32, #tpu.memory_space<hbm>>, %arg5: memref<2x10000x128xf32, #tpu.memory_space<hbm>>, %arg6: memref<80x125xi32, #tpu.memory_space<vmem>>, %arg7: memref<125x128xf32, #tpu.memory_space<vmem>>, %arg8: memref<10000x128xf32, #tpu.memory_space<vmem_shared>>) attributes {dimension_semantics = [#tpu.dimension_semantics<core_parallel>, #tpu.dimension_semantics<subcore_parallel>], iteration_bounds = array<i64: 2, 16>, scalar_prefetch = 0 : i64, scratch_operands = 3 : i64, tpu.core_type = #tpu.core_type<sc_vector_subcore>, window_params = [{transform_indices = #map}, {transform_indices = #map1}, {transform_indices = #map1}, {transform_indices = #map}]} {
    %mul3A = arith.constant 16 : i32
    %mul3A_0 = arith.muli %arg0, %mul3A : i32
    %add3A = arith.addi %mul3A_0, %arg1 : i32
    "tpu.region"() ({
      %run_scoped3A = tpu.sem_alloc : memref<!tpu.dma_semaphore, #tpu.memory_space<semaphore_mem>>
      tpu.enqueue_dma source(%arg3 : memref<125x128xf32, #tpu.memory_space<hbm>>) target(%arg7 : memref<125x128xf32, #tpu.memory_space<vmem>>) target_semaphore(%run_scoped3A : memref<!tpu.dma_semaphore, #tpu.memory_space<semaphore_mem>>)
      tpu.wait_dma2 semaphore(%run_scoped3A : memref<!tpu.dma_semaphore, #tpu.memory_space<semaphore_mem>>) src(%arg3 : memref<125x128xf32, #tpu.memory_space<hbm>>) dst(%arg7 : memref<125x128xf32, #tpu.memory_space<vmem>>)
      tpu.yield
    }) : () -> ()
    %mul3A_1 = arith.constant 624 : i32
    %mul3A_2 = arith.muli %arg1, %mul3A_1 : i32
    "tpu.region"() ({
      %run_scoped3A = tpu.sem_alloc : memref<!tpu.dma_semaphore, #tpu.memory_space<semaphore_mem>>
      %dma_start3A = arith.constant 0 : i32
      %dma_start3A_18 = tpu.memref_slice %arg8[%mul3A_2, %dma_start3A] : memref<10000x128xf32, #tpu.memory_space<vmem_shared>> -> memref<624x128xf32, #tpu.memory_space<vmem_shared>>
      tpu.enqueue_dma source(%arg4 : memref<624x128xf32, #tpu.memory_space<hbm>>) target(%dma_start3A_18 : memref<624x128xf32, #tpu.memory_space<vmem_shared>>) target_semaphore(%run_scoped3A : memref<!tpu.dma_semaphore, #tpu.memory_space<semaphore_mem>>)
      %dma_wait3A = arith.constant 0 : i32
      %dma_wait3A_19 = tpu.memref_slice %arg8[%mul3A_2, %dma_wait3A] : memref<10000x128xf32, #tpu.memory_space<vmem_shared>> -> memref<624x128xf32, #tpu.memory_space<vmem_shared>>
      tpu.wait_dma2 semaphore(%run_scoped3A : memref<!tpu.dma_semaphore, #tpu.memory_space<semaphore_mem>>) src(%arg4 : memref<624x128xf32, #tpu.memory_space<hbm>>) dst(%dma_wait3A_19 : memref<624x128xf32, #tpu.memory_space<vmem_shared>>)
      tpu.yield
    }) : () -> ()
    %eq3A = arith.constant 15 : i32
    %eq3A_3 = arith.cmpi eq, %arg1, %eq3A : i32
    %convert_element_type3A = arith.extui %eq3A_3 : i1 to i32
    %cond3A = arith.constant 0 : i32
    %cond3A_4 = arith.cmpi ne, %convert_element_type3A, %cond3A : i32
    scf.if %cond3A_4 {
      "tpu.region"() ({
        %run_scoped3A = tpu.sem_alloc : memref<!tpu.dma_semaphore, #tpu.memory_space<semaphore_mem>>
        %dma_start3A = arith.constant 9984 : i32
        %dma_start3A_18 = arith.constant 0 : i32
        %dma_start3A_19 = tpu.memref_slice %arg8[%dma_start3A, %dma_start3A_18] : memref<10000x128xf32, #tpu.memory_space<vmem_shared>> -> memref<16x128xf32, #tpu.memory_space<vmem_shared>>
        %dma_start3A_20 = arith.constant 0 : i32
        %dma_start3A_21 = arith.constant 0 : i32
        %dma_start3A_22 = tpu.memref_slice %arg4[%dma_start3A_20, %dma_start3A_21] : memref<624x128xf32, #tpu.memory_space<hbm>> -> memref<16x128xf32, #tpu.memory_space<hbm>>
        tpu.enqueue_dma source(%dma_start3A_22 : memref<16x128xf32, #tpu.memory_space<hbm>>) target(%dma_start3A_19 : memref<16x128xf32, #tpu.memory_space<vmem_shared>>) target_semaphore(%run_scoped3A : memref<!tpu.dma_semaphore, #tpu.memory_space<semaphore_mem>>)
        %dma_wait3A = arith.constant 9984 : i32
        %dma_wait3A_23 = arith.constant 0 : i32
        %dma_wait3A_24 = tpu.memref_slice %arg8[%dma_wait3A, %dma_wait3A_23] : memref<10000x128xf32, #tpu.memory_space<vmem_shared>> -> memref<16x128xf32, #tpu.memory_space<vmem_shared>>
        %dma_wait3A_25 = arith.constant 0 : i32
        %dma_wait3A_26 = arith.constant 0 : i32
        %dma_wait3A_27 = tpu.memref_slice %arg4[%dma_wait3A_25, %dma_wait3A_26] : memref<624x128xf32, #tpu.memory_space<hbm>> -> memref<16x128xf32, #tpu.memory_space<hbm>>
        tpu.wait_dma2 semaphore(%run_scoped3A : memref<!tpu.dma_semaphore, #tpu.memory_space<semaphore_mem>>) src(%dma_wait3A_27 : memref<16x128xf32, #tpu.memory_space<hbm>>) dst(%dma_wait3A_24 : memref<16x128xf32, #tpu.memory_space<vmem_shared>>)
        tpu.yield
      }) : () -> ()
    } else {
    }
    "tpu.region"() ({
      %run_scoped3A = tpu.sem_alloc : memref<!tpu.dma_semaphore, #tpu.memory_space<semaphore_mem>>
      %dma_start3A = arith.constant 0 : i32
      %dma_start3A_18 = arith.constant 0 : i32
      %dma_start3A_19 = tpu.memref_slice %arg2[%add3A, %dma_start3A, %dma_start3A_18] : memref<32x80x125xi32, #tpu.memory_space<hbm>> -> memref<1x80x125xi32, #tpu.memory_space<hbm>>
      %dma_start3A_20 = tpu.memref_squeeze %dma_start3A_19 : memref<1x80x125xi32, #tpu.memory_space<hbm>> -> memref<80x125xi32, #tpu.memory_space<hbm>>
      %dma_start3A_21 = arith.constant 0 : i32
      %dma_start3A_22 = arith.constant 0 : i32
      %dma_start3A_23 = tpu.memref_slice %arg2[%add3A, %dma_start3A_21, %dma_start3A_22] : memref<32x80x125xi32, #tpu.memory_space<hbm>> -> memref<1x80x125xi32, #tpu.memory_space<hbm>>
      %dma_start3A_24 = tpu.memref_squeeze %dma_start3A_23 : memref<1x80x125xi32, #tpu.memory_space<hbm>> -> memref<80x125xi32, #tpu.memory_space<hbm>>
      tpu.enqueue_dma source(%dma_start3A_24 : memref<80x125xi32, #tpu.memory_space<hbm>>) target(%arg6 : memref<80x125xi32, #tpu.memory_space<vmem>>) target_semaphore(%run_scoped3A : memref<!tpu.dma_semaphore, #tpu.memory_space<semaphore_mem>>)
      %dma_wait3A = arith.constant 0 : i32
      %dma_wait3A_25 = arith.constant 0 : i32
      %dma_wait3A_26 = tpu.memref_slice %arg2[%add3A, %dma_wait3A, %dma_wait3A_25] : memref<32x80x125xi32, #tpu.memory_space<hbm>> -> memref<1x80x125xi32, #tpu.memory_space<hbm>>
      %dma_wait3A_27 = tpu.memref_squeeze %dma_wait3A_26 : memref<1x80x125xi32, #tpu.memory_space<hbm>> -> memref<80x125xi32, #tpu.memory_space<hbm>>
      %dma_wait3A_28 = arith.constant 0 : i32
      %dma_wait3A_29 = arith.constant 0 : i32
      %dma_wait3A_30 = tpu.memref_slice %arg2[%add3A, %dma_wait3A_28, %dma_wait3A_29] : memref<32x80x125xi32, #tpu.memory_space<hbm>> -> memref<1x80x125xi32, #tpu.memory_space<hbm>>
      %dma_wait3A_31 = tpu.memref_squeeze %dma_wait3A_30 : memref<1x80x125xi32, #tpu.memory_space<hbm>> -> memref<80x125xi32, #tpu.memory_space<hbm>>
      tpu.wait_dma2 semaphore(%run_scoped3A : memref<!tpu.dma_semaphore, #tpu.memory_space<semaphore_mem>>) src(%dma_wait3A_31 : memref<80x125xi32, #tpu.memory_space<hbm>>) dst(%arg6 : memref<80x125xi32, #tpu.memory_space<vmem>>)
      tpu.yield
    }) : () -> ()
    %barrier3A = arith.constant 0 : index
    tpu.barrier barrier_id(%barrier3A)
    %scan3A = arith.constant 0 : i32
    %scan3A_5 = arith.constant 0 : i32
    %scan3A_6 = arith.constant 80 : i32
    %scan3A_7 = arith.addi %scan3A_5, %scan3A_6 : i32
    %scan3A_8 = arith.constant 1 : i32
    scf.for %scan3A_18 = %scan3A_5 to %scan3A_7 step %scan3A_8  : i32 {
      "tpu.region"() ({
        %run_scoped3A = tpu.sem_alloc : memref<!tpu.dma_semaphore, #tpu.memory_space<semaphore_mem>>
        %dma_start3A = arith.constant 0 : i32
        %dma_start3A_19 = tpu.memref_slice %arg6[%scan3A_18, %dma_start3A] : memref<80x125xi32, #tpu.memory_space<vmem>> -> memref<1x125xi32, #tpu.memory_space<vmem>>
        %dma_start3A_20 = tpu.memref_squeeze %dma_start3A_19 : memref<1x125xi32, #tpu.memory_space<vmem>> -> memref<125xi32, #tpu.memory_space<vmem>>
        %dma_start3A_21 = arith.constant 0 : i32
        %dma_start3A_22 = arith.constant 0 : i32
        %dma_start3A_23 = tpu.memref_slice %arg8[%dma_start3A_21, %dma_start3A_22] : memref<10000x128xf32, #tpu.memory_space<vmem_shared>> -> memref<10000x128xf32, #tpu.memory_space<vmem_shared>>
        tpu.enqueue_indirect_dma source(%arg7 : memref<125x128xf32, #tpu.memory_space<vmem>>) target(%dma_start3A_23 : memref<10000x128xf32, #tpu.memory_space<vmem_shared>>) offsets(%dma_start3A_20 : memref<125xi32, #tpu.memory_space<vmem>>) semaphore(%run_scoped3A : memref<!tpu.dma_semaphore, #tpu.memory_space<semaphore_mem>>) {add = true}
        %dma_wait3A = arith.constant 0 : i32
        %dma_wait3A_24 = tpu.memref_slice %arg6[%scan3A_18, %dma_wait3A] : memref<80x125xi32, #tpu.memory_space<vmem>> -> memref<1x125xi32, #tpu.memory_space<vmem>>
        %dma_wait3A_25 = tpu.memref_squeeze %dma_wait3A_24 : memref<1x125xi32, #tpu.memory_space<vmem>> -> memref<125xi32, #tpu.memory_space<vmem>>
        %dma_wait3A_26 = arith.constant 0 : i32
        %dma_wait3A_27 = arith.constant 0 : i32
        %dma_wait3A_28 = tpu.memref_slice %arg8[%dma_wait3A_26, %dma_wait3A_27] : memref<10000x128xf32, #tpu.memory_space<vmem_shared>> -> memref<10000x128xf32, #tpu.memory_space<vmem_shared>>
        tpu.wait_indirect_dma semaphore(%run_scoped3A : memref<!tpu.dma_semaphore, #tpu.memory_space<semaphore_mem>>) src(%arg7 : memref<125x128xf32, #tpu.memory_space<vmem>>) dst(%dma_wait3A_28 : memref<10000x128xf32, #tpu.memory_space<vmem_shared>>)
        tpu.yield
      }) : () -> ()
    }
    %scan3A_9 = arith.constant 80 : i32
    %barrier3A_10 = arith.constant 0 : index
    tpu.barrier barrier_id(%barrier3A_10)
    %mul3A_11 = arith.constant 624 : i32
    %mul3A_12 = arith.muli %arg1, %mul3A_11 : i32
    "tpu.region"() ({
      %run_scoped3A = tpu.sem_alloc : memref<!tpu.dma_semaphore, #tpu.memory_space<semaphore_mem>>
      %dma_start3A = arith.constant 0 : i32
      %dma_start3A_18 = tpu.memref_slice %arg5[%arg0, %mul3A_12, %dma_start3A] : memref<2x10000x128xf32, #tpu.memory_space<hbm>> -> memref<1x624x128xf32, #tpu.memory_space<hbm>>
      %dma_start3A_19 = tpu.memref_squeeze %dma_start3A_18 : memref<1x624x128xf32, #tpu.memory_space<hbm>> -> memref<624x128xf32, #tpu.memory_space<hbm>>
      %dma_start3A_20 = arith.constant 0 : i32
      %dma_start3A_21 = tpu.memref_slice %arg8[%mul3A_12, %dma_start3A_20] : memref<10000x128xf32, #tpu.memory_space<vmem_shared>> -> memref<624x128xf32, #tpu.memory_space<vmem_shared>>
      tpu.enqueue_dma source(%dma_start3A_21 : memref<624x128xf32, #tpu.memory_space<vmem_shared>>) target(%dma_start3A_19 : memref<624x128xf32, #tpu.memory_space<hbm>>) target_semaphore(%run_scoped3A : memref<!tpu.dma_semaphore, #tpu.memory_space<semaphore_mem>>)
      %dma_wait3A = arith.constant 0 : i32
      %dma_wait3A_22 = tpu.memref_slice %arg5[%arg0, %mul3A_12, %dma_wait3A] : memref<2x10000x128xf32, #tpu.memory_space<hbm>> -> memref<1x624x128xf32, #tpu.memory_space<hbm>>
      %dma_wait3A_23 = tpu.memref_squeeze %dma_wait3A_22 : memref<1x624x128xf32, #tpu.memory_space<hbm>> -> memref<624x128xf32, #tpu.memory_space<hbm>>
      %dma_wait3A_24 = arith.constant 0 : i32
      %dma_wait3A_25 = tpu.memref_slice %arg8[%mul3A_12, %dma_wait3A_24] : memref<10000x128xf32, #tpu.memory_space<vmem_shared>> -> memref<624x128xf32, #tpu.memory_space<vmem_shared>>
      tpu.wait_dma2 semaphore(%run_scoped3A : memref<!tpu.dma_semaphore, #tpu.memory_space<semaphore_mem>>) src(%dma_wait3A_25 : memref<624x128xf32, #tpu.memory_space<vmem_shared>>) dst(%dma_wait3A_23 : memref<624x128xf32, #tpu.memory_space<hbm>>)
      tpu.yield
    }) : () -> ()
    %eq3A_13 = arith.constant 15 : i32
    %eq3A_14 = arith.cmpi eq, %arg1, %eq3A_13 : i32
    %convert_element_type3A_15 = arith.extui %eq3A_14 : i1 to i32
    %cond3A_16 = arith.constant 0 : i32
    %cond3A_17 = arith.cmpi ne, %convert_element_type3A_15, %cond3A_16 : i32
    scf.if %cond3A_17 {
      "tpu.region"() ({
        %run_scoped3A = tpu.sem_alloc : memref<!tpu.dma_semaphore, #tpu.memory_space<semaphore_mem>>
        %dma_start3A = arith.constant 9984 : i32
        %dma_start3A_18 = arith.constant 0 : i32
        %dma_start3A_19 = tpu.memref_slice %arg5[%arg0, %dma_start3A, %dma_start3A_18] : memref<2x10000x128xf32, #tpu.memory_space<hbm>> -> memref<1x16x128xf32, #tpu.memory_space<hbm>>
        %dma_start3A_20 = tpu.memref_squeeze %dma_start3A_19 : memref<1x16x128xf32, #tpu.memory_space<hbm>> -> memref<16x128xf32, #tpu.memory_space<hbm>>
        %dma_start3A_21 = arith.constant 9984 : i32
        %dma_start3A_22 = arith.constant 0 : i32
        %dma_start3A_23 = tpu.memref_slice %arg8[%dma_start3A_21, %dma_start3A_22] : memref<10000x128xf32, #tpu.memory_space<vmem_shared>> -> memref<16x128xf32, #tpu.memory_space<vmem_shared>>
        tpu.enqueue_dma source(%dma_start3A_23 : memref<16x128xf32, #tpu.memory_space<vmem_shared>>) target(%dma_start3A_20 : memref<16x128xf32, #tpu.memory_space<hbm>>) target_semaphore(%run_scoped3A : memref<!tpu.dma_semaphore, #tpu.memory_space<semaphore_mem>>)
        %dma_wait3A = arith.constant 9984 : i32
        %dma_wait3A_24 = arith.constant 0 : i32
        %dma_wait3A_25 = tpu.memref_slice %arg5[%arg0, %dma_wait3A, %dma_wait3A_24] : memref<2x10000x128xf32, #tpu.memory_space<hbm>> -> memref<1x16x128xf32, #tpu.memory_space<hbm>>
        %dma_wait3A_26 = tpu.memref_squeeze %dma_wait3A_25 : memref<1x16x128xf32, #tpu.memory_space<hbm>> -> memref<16x128xf32, #tpu.memory_space<hbm>>
        %dma_wait3A_27 = arith.constant 9984 : i32
        %dma_wait3A_28 = arith.constant 0 : i32
        %dma_wait3A_29 = tpu.memref_slice %arg8[%dma_wait3A_27, %dma_wait3A_28] : memref<10000x128xf32, #tpu.memory_space<vmem_shared>> -> memref<16x128xf32, #tpu.memory_space<vmem_shared>>
        tpu.wait_dma2 semaphore(%run_scoped3A : memref<!tpu.dma_semaphore, #tpu.memory_space<semaphore_mem>>) src(%dma_wait3A_29 : memref<16x128xf32, #tpu.memory_space<vmem_shared>>) dst(%dma_wait3A_26 : memref<16x128xf32, #tpu.memory_space<hbm>>)
        tpu.yield
      }) : () -> ()
    } else {
    }
    return
  }
}

#map = affine_map<(d0, d1) -> (0, 0, 0)>
#map1 = affine_map<(d0, d1) -> (0, 0)>
module attributes {stable_mosaic.version = 14 : i64} {
  func.func @_agg_kernel(%arg0: i32, %arg1: i32, %arg2: memref<32x80x125xi32, #tpu.memory_space<hbm>>, %arg3: memref<32x80x125xi32, #tpu.memory_space<hbm>>, %arg4: memref<10000x128xf32, #tpu.memory_space<hbm>>, %arg5: memref<624x128xf32, #tpu.memory_space<hbm>>, %arg6: memref<2x10000x128xf32, #tpu.memory_space<hbm>>, %arg7: memref<80x125xi32, #tpu.memory_space<vmem>>, %arg8: memref<80x125xi32, #tpu.memory_space<vmem>>, %arg9: memref<125x128xf32, #tpu.memory_space<vmem>>, %arg10: memref<10000x128xf32, #tpu.memory_space<vmem_shared>>, %arg11: memref<!tpu.dma_semaphore, #tpu.memory_space<semaphore_mem>>) attributes {dimension_semantics = [#tpu.dimension_semantics<core_parallel>, #tpu.dimension_semantics<subcore_parallel>], iteration_bounds = array<i64: 2, 16>, scalar_prefetch = 0 : i64, scratch_operands = 5 : i64, tpu.core_type = #tpu.core_type<sc_vector_subcore>, window_params = [{transform_indices = #map}, {transform_indices = #map}, {transform_indices = #map1}, {transform_indices = #map1}, {transform_indices = #map}]} {
    %mul3A = arith.constant 16 : i32
    %mul3A_0 = arith.muli %arg0, %mul3A : i32
    %add3A = arith.addi %mul3A_0, %arg1 : i32
    %mul3A_1 = arith.constant 624 : i32
    %mul3A_2 = arith.muli %arg1, %mul3A_1 : i32
    "tpu.region"() ({
      %run_scoped3A = tpu.sem_alloc : memref<!tpu.dma_semaphore, #tpu.memory_space<semaphore_mem>>
      %dma_start3A = arith.constant 0 : i32
      %dma_start3A_18 = tpu.memref_slice %arg10[%mul3A_2, %dma_start3A] : memref<10000x128xf32, #tpu.memory_space<vmem_shared>> -> memref<624x128xf32, #tpu.memory_space<vmem_shared>>
      tpu.enqueue_dma source(%arg5 : memref<624x128xf32, #tpu.memory_space<hbm>>) target(%dma_start3A_18 : memref<624x128xf32, #tpu.memory_space<vmem_shared>>) target_semaphore(%run_scoped3A : memref<!tpu.dma_semaphore, #tpu.memory_space<semaphore_mem>>)
      %dma_wait3A = arith.constant 0 : i32
      %dma_wait3A_19 = tpu.memref_slice %arg10[%mul3A_2, %dma_wait3A] : memref<10000x128xf32, #tpu.memory_space<vmem_shared>> -> memref<624x128xf32, #tpu.memory_space<vmem_shared>>
      tpu.wait_dma2 semaphore(%run_scoped3A : memref<!tpu.dma_semaphore, #tpu.memory_space<semaphore_mem>>) src(%arg5 : memref<624x128xf32, #tpu.memory_space<hbm>>) dst(%dma_wait3A_19 : memref<624x128xf32, #tpu.memory_space<vmem_shared>>)
      tpu.yield
    }) : () -> ()
    %eq3A = arith.constant 15 : i32
    %eq3A_3 = arith.cmpi eq, %arg1, %eq3A : i32
    %convert_element_type3A = arith.extui %eq3A_3 : i1 to i32
    %cond3A = arith.constant 0 : i32
    %cond3A_4 = arith.cmpi ne, %convert_element_type3A, %cond3A : i32
    scf.if %cond3A_4 {
      "tpu.region"() ({
        %run_scoped3A = tpu.sem_alloc : memref<!tpu.dma_semaphore, #tpu.memory_space<semaphore_mem>>
        %dma_start3A = arith.constant 9984 : i32
        %dma_start3A_18 = arith.constant 0 : i32
        %dma_start3A_19 = tpu.memref_slice %arg10[%dma_start3A, %dma_start3A_18] : memref<10000x128xf32, #tpu.memory_space<vmem_shared>> -> memref<16x128xf32, #tpu.memory_space<vmem_shared>>
        %dma_start3A_20 = arith.constant 0 : i32
        %dma_start3A_21 = arith.constant 0 : i32
        %dma_start3A_22 = tpu.memref_slice %arg5[%dma_start3A_20, %dma_start3A_21] : memref<624x128xf32, #tpu.memory_space<hbm>> -> memref<16x128xf32, #tpu.memory_space<hbm>>
        tpu.enqueue_dma source(%dma_start3A_22 : memref<16x128xf32, #tpu.memory_space<hbm>>) target(%dma_start3A_19 : memref<16x128xf32, #tpu.memory_space<vmem_shared>>) target_semaphore(%run_scoped3A : memref<!tpu.dma_semaphore, #tpu.memory_space<semaphore_mem>>)
        %dma_wait3A = arith.constant 9984 : i32
        %dma_wait3A_23 = arith.constant 0 : i32
        %dma_wait3A_24 = tpu.memref_slice %arg10[%dma_wait3A, %dma_wait3A_23] : memref<10000x128xf32, #tpu.memory_space<vmem_shared>> -> memref<16x128xf32, #tpu.memory_space<vmem_shared>>
        %dma_wait3A_25 = arith.constant 0 : i32
        %dma_wait3A_26 = arith.constant 0 : i32
        %dma_wait3A_27 = tpu.memref_slice %arg5[%dma_wait3A_25, %dma_wait3A_26] : memref<624x128xf32, #tpu.memory_space<hbm>> -> memref<16x128xf32, #tpu.memory_space<hbm>>
        tpu.wait_dma2 semaphore(%run_scoped3A : memref<!tpu.dma_semaphore, #tpu.memory_space<semaphore_mem>>) src(%dma_wait3A_27 : memref<16x128xf32, #tpu.memory_space<hbm>>) dst(%dma_wait3A_24 : memref<16x128xf32, #tpu.memory_space<vmem_shared>>)
        tpu.yield
      }) : () -> ()
    } else {
    }
    "tpu.region"() ({
      %run_scoped3A = tpu.sem_alloc : memref<!tpu.dma_semaphore, #tpu.memory_space<semaphore_mem>>
      %dma_start3A = arith.constant 0 : i32
      %dma_start3A_18 = arith.constant 0 : i32
      %dma_start3A_19 = tpu.memref_slice %arg2[%add3A, %dma_start3A, %dma_start3A_18] : memref<32x80x125xi32, #tpu.memory_space<hbm>> -> memref<1x80x125xi32, #tpu.memory_space<hbm>>
      %dma_start3A_20 = tpu.memref_squeeze %dma_start3A_19 : memref<1x80x125xi32, #tpu.memory_space<hbm>> -> memref<80x125xi32, #tpu.memory_space<hbm>>
      %dma_start3A_21 = arith.constant 0 : i32
      %dma_start3A_22 = arith.constant 0 : i32
      %dma_start3A_23 = tpu.memref_slice %arg2[%add3A, %dma_start3A_21, %dma_start3A_22] : memref<32x80x125xi32, #tpu.memory_space<hbm>> -> memref<1x80x125xi32, #tpu.memory_space<hbm>>
      %dma_start3A_24 = tpu.memref_squeeze %dma_start3A_23 : memref<1x80x125xi32, #tpu.memory_space<hbm>> -> memref<80x125xi32, #tpu.memory_space<hbm>>
      tpu.enqueue_dma source(%dma_start3A_24 : memref<80x125xi32, #tpu.memory_space<hbm>>) target(%arg7 : memref<80x125xi32, #tpu.memory_space<vmem>>) target_semaphore(%run_scoped3A : memref<!tpu.dma_semaphore, #tpu.memory_space<semaphore_mem>>)
      %dma_wait3A = arith.constant 0 : i32
      %dma_wait3A_25 = arith.constant 0 : i32
      %dma_wait3A_26 = tpu.memref_slice %arg2[%add3A, %dma_wait3A, %dma_wait3A_25] : memref<32x80x125xi32, #tpu.memory_space<hbm>> -> memref<1x80x125xi32, #tpu.memory_space<hbm>>
      %dma_wait3A_27 = tpu.memref_squeeze %dma_wait3A_26 : memref<1x80x125xi32, #tpu.memory_space<hbm>> -> memref<80x125xi32, #tpu.memory_space<hbm>>
      %dma_wait3A_28 = arith.constant 0 : i32
      %dma_wait3A_29 = arith.constant 0 : i32
      %dma_wait3A_30 = tpu.memref_slice %arg2[%add3A, %dma_wait3A_28, %dma_wait3A_29] : memref<32x80x125xi32, #tpu.memory_space<hbm>> -> memref<1x80x125xi32, #tpu.memory_space<hbm>>
      %dma_wait3A_31 = tpu.memref_squeeze %dma_wait3A_30 : memref<1x80x125xi32, #tpu.memory_space<hbm>> -> memref<80x125xi32, #tpu.memory_space<hbm>>
      tpu.wait_dma2 semaphore(%run_scoped3A : memref<!tpu.dma_semaphore, #tpu.memory_space<semaphore_mem>>) src(%dma_wait3A_31 : memref<80x125xi32, #tpu.memory_space<hbm>>) dst(%arg7 : memref<80x125xi32, #tpu.memory_space<vmem>>)
      tpu.yield
    }) : () -> ()
    "tpu.region"() ({
      %run_scoped3A = tpu.sem_alloc : memref<!tpu.dma_semaphore, #tpu.memory_space<semaphore_mem>>
      %dma_start3A = arith.constant 0 : i32
      %dma_start3A_18 = arith.constant 0 : i32
      %dma_start3A_19 = tpu.memref_slice %arg3[%add3A, %dma_start3A, %dma_start3A_18] : memref<32x80x125xi32, #tpu.memory_space<hbm>> -> memref<1x80x125xi32, #tpu.memory_space<hbm>>
      %dma_start3A_20 = tpu.memref_squeeze %dma_start3A_19 : memref<1x80x125xi32, #tpu.memory_space<hbm>> -> memref<80x125xi32, #tpu.memory_space<hbm>>
      %dma_start3A_21 = arith.constant 0 : i32
      %dma_start3A_22 = arith.constant 0 : i32
      %dma_start3A_23 = tpu.memref_slice %arg3[%add3A, %dma_start3A_21, %dma_start3A_22] : memref<32x80x125xi32, #tpu.memory_space<hbm>> -> memref<1x80x125xi32, #tpu.memory_space<hbm>>
      %dma_start3A_24 = tpu.memref_squeeze %dma_start3A_23 : memref<1x80x125xi32, #tpu.memory_space<hbm>> -> memref<80x125xi32, #tpu.memory_space<hbm>>
      tpu.enqueue_dma source(%dma_start3A_24 : memref<80x125xi32, #tpu.memory_space<hbm>>) target(%arg8 : memref<80x125xi32, #tpu.memory_space<vmem>>) target_semaphore(%run_scoped3A : memref<!tpu.dma_semaphore, #tpu.memory_space<semaphore_mem>>)
      %dma_wait3A = arith.constant 0 : i32
      %dma_wait3A_25 = arith.constant 0 : i32
      %dma_wait3A_26 = tpu.memref_slice %arg3[%add3A, %dma_wait3A, %dma_wait3A_25] : memref<32x80x125xi32, #tpu.memory_space<hbm>> -> memref<1x80x125xi32, #tpu.memory_space<hbm>>
      %dma_wait3A_27 = tpu.memref_squeeze %dma_wait3A_26 : memref<1x80x125xi32, #tpu.memory_space<hbm>> -> memref<80x125xi32, #tpu.memory_space<hbm>>
      %dma_wait3A_28 = arith.constant 0 : i32
      %dma_wait3A_29 = arith.constant 0 : i32
      %dma_wait3A_30 = tpu.memref_slice %arg3[%add3A, %dma_wait3A_28, %dma_wait3A_29] : memref<32x80x125xi32, #tpu.memory_space<hbm>> -> memref<1x80x125xi32, #tpu.memory_space<hbm>>
      %dma_wait3A_31 = tpu.memref_squeeze %dma_wait3A_30 : memref<1x80x125xi32, #tpu.memory_space<hbm>> -> memref<80x125xi32, #tpu.memory_space<hbm>>
      tpu.wait_dma2 semaphore(%run_scoped3A : memref<!tpu.dma_semaphore, #tpu.memory_space<semaphore_mem>>) src(%dma_wait3A_31 : memref<80x125xi32, #tpu.memory_space<hbm>>) dst(%arg8 : memref<80x125xi32, #tpu.memory_space<vmem>>)
      tpu.yield
    }) : () -> ()
    %barrier3A = arith.constant 0 : index
    tpu.barrier barrier_id(%barrier3A)
    %scan3A = arith.constant 0 : i32
    %scan3A_5 = arith.constant 0 : i32
    %scan3A_6 = arith.constant 80 : i32
    %scan3A_7 = arith.addi %scan3A_5, %scan3A_6 : i32
    %scan3A_8 = arith.constant 1 : i32
    scf.for %scan3A_18 = %scan3A_5 to %scan3A_7 step %scan3A_8  : i32 {
      %dma_start3A = arith.constant 0 : i32
      %dma_start3A_19 = tpu.memref_slice %arg7[%scan3A_18, %dma_start3A] : memref<80x125xi32, #tpu.memory_space<vmem>> -> memref<1x125xi32, #tpu.memory_space<vmem>>
      %dma_start3A_20 = tpu.memref_squeeze %dma_start3A_19 : memref<1x125xi32, #tpu.memory_space<vmem>> -> memref<125xi32, #tpu.memory_space<vmem>>
      %dma_start3A_21 = arith.constant 0 : i32
      %dma_start3A_22 = arith.constant 0 : i32
      %dma_start3A_23 = tpu.memref_slice %arg4[%dma_start3A_21, %dma_start3A_22] : memref<10000x128xf32, #tpu.memory_space<hbm>> -> memref<10000x128xf32, #tpu.memory_space<hbm>>
      tpu.enqueue_indirect_dma source(%dma_start3A_23 : memref<10000x128xf32, #tpu.memory_space<hbm>>) target(%arg9 : memref<125x128xf32, #tpu.memory_space<vmem>>) offsets(%dma_start3A_20 : memref<125xi32, #tpu.memory_space<vmem>>) semaphore(%arg11 : memref<!tpu.dma_semaphore, #tpu.memory_space<semaphore_mem>>)
      %dma_wait3A = arith.constant 0 : i32
      %dma_wait3A_24 = tpu.memref_slice %arg7[%scan3A_18, %dma_wait3A] : memref<80x125xi32, #tpu.memory_space<vmem>> -> memref<1x125xi32, #tpu.memory_space<vmem>>
      %dma_wait3A_25 = tpu.memref_squeeze %dma_wait3A_24 : memref<1x125xi32, #tpu.memory_space<vmem>> -> memref<125xi32, #tpu.memory_space<vmem>>
      %dma_wait3A_26 = arith.constant 0 : i32
      %dma_wait3A_27 = arith.constant 0 : i32
      %dma_wait3A_28 = tpu.memref_slice %arg4[%dma_wait3A_26, %dma_wait3A_27] : memref<10000x128xf32, #tpu.memory_space<hbm>> -> memref<10000x128xf32, #tpu.memory_space<hbm>>
      tpu.wait_indirect_dma semaphore(%arg11 : memref<!tpu.dma_semaphore, #tpu.memory_space<semaphore_mem>>) src(%dma_wait3A_28 : memref<10000x128xf32, #tpu.memory_space<hbm>>) dst(%arg9 : memref<125x128xf32, #tpu.memory_space<vmem>>)
      "tpu.region"() ({
        %run_scoped3A = tpu.sem_alloc : memref<!tpu.dma_semaphore, #tpu.memory_space<semaphore_mem>>
        %dma_start3A_29 = arith.constant 0 : i32
        %dma_start3A_30 = tpu.memref_slice %arg8[%scan3A_18, %dma_start3A_29] : memref<80x125xi32, #tpu.memory_space<vmem>> -> memref<1x125xi32, #tpu.memory_space<vmem>>
        %dma_start3A_31 = tpu.memref_squeeze %dma_start3A_30 : memref<1x125xi32, #tpu.memory_space<vmem>> -> memref<125xi32, #tpu.memory_space<vmem>>
        %dma_start3A_32 = arith.constant 0 : i32
        %dma_start3A_33 = arith.constant 0 : i32
        %dma_start3A_34 = tpu.memref_slice %arg10[%dma_start3A_32, %dma_start3A_33] : memref<10000x128xf32, #tpu.memory_space<vmem_shared>> -> memref<10000x128xf32, #tpu.memory_space<vmem_shared>>
        tpu.enqueue_indirect_dma source(%arg9 : memref<125x128xf32, #tpu.memory_space<vmem>>) target(%dma_start3A_34 : memref<10000x128xf32, #tpu.memory_space<vmem_shared>>) offsets(%dma_start3A_31 : memref<125xi32, #tpu.memory_space<vmem>>) semaphore(%run_scoped3A : memref<!tpu.dma_semaphore, #tpu.memory_space<semaphore_mem>>) {add = true}
        %dma_wait3A_35 = arith.constant 0 : i32
        %dma_wait3A_36 = tpu.memref_slice %arg8[%scan3A_18, %dma_wait3A_35] : memref<80x125xi32, #tpu.memory_space<vmem>> -> memref<1x125xi32, #tpu.memory_space<vmem>>
        %dma_wait3A_37 = tpu.memref_squeeze %dma_wait3A_36 : memref<1x125xi32, #tpu.memory_space<vmem>> -> memref<125xi32, #tpu.memory_space<vmem>>
        %dma_wait3A_38 = arith.constant 0 : i32
        %dma_wait3A_39 = arith.constant 0 : i32
        %dma_wait3A_40 = tpu.memref_slice %arg10[%dma_wait3A_38, %dma_wait3A_39] : memref<10000x128xf32, #tpu.memory_space<vmem_shared>> -> memref<10000x128xf32, #tpu.memory_space<vmem_shared>>
        tpu.wait_indirect_dma semaphore(%run_scoped3A : memref<!tpu.dma_semaphore, #tpu.memory_space<semaphore_mem>>) src(%arg9 : memref<125x128xf32, #tpu.memory_space<vmem>>) dst(%dma_wait3A_40 : memref<10000x128xf32, #tpu.memory_space<vmem_shared>>)
        tpu.yield
      }) : () -> ()
    }
    %scan3A_9 = arith.constant 80 : i32
    %barrier3A_10 = arith.constant 0 : index
    tpu.barrier barrier_id(%barrier3A_10)
    %mul3A_11 = arith.constant 624 : i32
    %mul3A_12 = arith.muli %arg1, %mul3A_11 : i32
    "tpu.region"() ({
      %run_scoped3A = tpu.sem_alloc : memref<!tpu.dma_semaphore, #tpu.memory_space<semaphore_mem>>
      %dma_start3A = arith.constant 0 : i32
      %dma_start3A_18 = tpu.memref_slice %arg6[%arg0, %mul3A_12, %dma_start3A] : memref<2x10000x128xf32, #tpu.memory_space<hbm>> -> memref<1x624x128xf32, #tpu.memory_space<hbm>>
      %dma_start3A_19 = tpu.memref_squeeze %dma_start3A_18 : memref<1x624x128xf32, #tpu.memory_space<hbm>> -> memref<624x128xf32, #tpu.memory_space<hbm>>
      %dma_start3A_20 = arith.constant 0 : i32
      %dma_start3A_21 = tpu.memref_slice %arg10[%mul3A_12, %dma_start3A_20] : memref<10000x128xf32, #tpu.memory_space<vmem_shared>> -> memref<624x128xf32, #tpu.memory_space<vmem_shared>>
      tpu.enqueue_dma source(%dma_start3A_21 : memref<624x128xf32, #tpu.memory_space<vmem_shared>>) target(%dma_start3A_19 : memref<624x128xf32, #tpu.memory_space<hbm>>) target_semaphore(%run_scoped3A : memref<!tpu.dma_semaphore, #tpu.memory_space<semaphore_mem>>)
      %dma_wait3A = arith.constant 0 : i32
      %dma_wait3A_22 = tpu.memref_slice %arg6[%arg0, %mul3A_12, %dma_wait3A] : memref<2x10000x128xf32, #tpu.memory_space<hbm>> -> memref<1x624x128xf32, #tpu.memory_space<hbm>>
      %dma_wait3A_23 = tpu.memref_squeeze %dma_wait3A_22 : memref<1x624x128xf32, #tpu.memory_space<hbm>> -> memref<624x128xf32, #tpu.memory_space<hbm>>
      %dma_wait3A_24 = arith.constant 0 : i32
      %dma_wait3A_25 = tpu.memref_slice %arg10[%mul3A_12, %dma_wait3A_24] : memref<10000x128xf32, #tpu.memory_space<vmem_shared>> -> memref<624x128xf32, #tpu.memory_space<vmem_shared>>
      tpu.wait_dma2 semaphore(%run_scoped3A : memref<!tpu.dma_semaphore, #tpu.memory_space<semaphore_mem>>) src(%dma_wait3A_25 : memref<624x128xf32, #tpu.memory_space<vmem_shared>>) dst(%dma_wait3A_23 : memref<624x128xf32, #tpu.memory_space<hbm>>)
      tpu.yield
    }) : () -> ()
    %eq3A_13 = arith.constant 15 : i32
    %eq3A_14 = arith.cmpi eq, %arg1, %eq3A_13 : i32
    %convert_element_type3A_15 = arith.extui %eq3A_14 : i1 to i32
    %cond3A_16 = arith.constant 0 : i32
    %cond3A_17 = arith.cmpi ne, %convert_element_type3A_15, %cond3A_16 : i32
    scf.if %cond3A_17 {
      "tpu.region"() ({
        %run_scoped3A = tpu.sem_alloc : memref<!tpu.dma_semaphore, #tpu.memory_space<semaphore_mem>>
        %dma_start3A = arith.constant 9984 : i32
        %dma_start3A_18 = arith.constant 0 : i32
        %dma_start3A_19 = tpu.memref_slice %arg6[%arg0, %dma_start3A, %dma_start3A_18] : memref<2x10000x128xf32, #tpu.memory_space<hbm>> -> memref<1x16x128xf32, #tpu.memory_space<hbm>>
        %dma_start3A_20 = tpu.memref_squeeze %dma_start3A_19 : memref<1x16x128xf32, #tpu.memory_space<hbm>> -> memref<16x128xf32, #tpu.memory_space<hbm>>
        %dma_start3A_21 = arith.constant 9984 : i32
        %dma_start3A_22 = arith.constant 0 : i32
        %dma_start3A_23 = tpu.memref_slice %arg10[%dma_start3A_21, %dma_start3A_22] : memref<10000x128xf32, #tpu.memory_space<vmem_shared>> -> memref<16x128xf32, #tpu.memory_space<vmem_shared>>
        tpu.enqueue_dma source(%dma_start3A_23 : memref<16x128xf32, #tpu.memory_space<vmem_shared>>) target(%dma_start3A_20 : memref<16x128xf32, #tpu.memory_space<hbm>>) target_semaphore(%run_scoped3A : memref<!tpu.dma_semaphore, #tpu.memory_space<semaphore_mem>>)
        %dma_wait3A = arith.constant 9984 : i32
        %dma_wait3A_24 = arith.constant 0 : i32
        %dma_wait3A_25 = tpu.memref_slice %arg6[%arg0, %dma_wait3A, %dma_wait3A_24] : memref<2x10000x128xf32, #tpu.memory_space<hbm>> -> memref<1x16x128xf32, #tpu.memory_space<hbm>>
        %dma_wait3A_26 = tpu.memref_squeeze %dma_wait3A_25 : memref<1x16x128xf32, #tpu.memory_space<hbm>> -> memref<16x128xf32, #tpu.memory_space<hbm>>
        %dma_wait3A_27 = arith.constant 9984 : i32
        %dma_wait3A_28 = arith.constant 0 : i32
        %dma_wait3A_29 = tpu.memref_slice %arg10[%dma_wait3A_27, %dma_wait3A_28] : memref<10000x128xf32, #tpu.memory_space<vmem_shared>> -> memref<16x128xf32, #tpu.memory_space<vmem_shared>>
        tpu.wait_dma2 semaphore(%run_scoped3A : memref<!tpu.dma_semaphore, #tpu.memory_space<semaphore_mem>>) src(%dma_wait3A_29 : memref<16x128xf32, #tpu.memory_space<vmem_shared>>) dst(%dma_wait3A_26 : memref<16x128xf32, #tpu.memory_space<hbm>>)
        tpu.yield
      }) : () -> ()
    } else {
    }
    return
  }
}

module attributes {stable_mosaic.version = 14 : i64} {
  func.func @_dense1_body(%arg0: memref<2x10000x128xf32, #tpu.memory_space<vmem>>, %arg1: memref<10000x128xf32, #tpu.memory_space<vmem>>, %arg2: memref<128x128xf32, #tpu.memory_space<vmem>>, %arg3: memref<10000x1xf32, #tpu.memory_space<vmem>>, %arg4: memref<10000x128xf32, #tpu.memory_space<vmem>>) attributes {dimension_semantics = [], scalar_prefetch = 0 : i64, scratch_operands = 0 : i64, tpu.core_type = #tpu.core_type<tc>} {
    %get3A = arith.constant 0 : index
    %get3A_0 = arith.constant 0 : index
    %get3A_1 = arith.constant 0 : index
    %get3A_2 = vector.load %arg0[%get3A, %get3A_0, %get3A_1] : memref<2x10000x128xf32, #tpu.memory_space<vmem>>, vector<1x10000x1xf32>
    %get3A_3 = vector.shape_cast %get3A_2 : vector<1x10000x1xf32> to vector<10000x1xf32>
    %get3A_4 = arith.constant 1 : index
    %get3A_5 = arith.constant 0 : index
    %get3A_6 = arith.constant 0 : index
    %get3A_7 = vector.load %arg0[%get3A_4, %get3A_5, %get3A_6] : memref<2x10000x128xf32, #tpu.memory_space<vmem>>, vector<1x10000x1xf32>
    %get3A_8 = vector.shape_cast %get3A_7 : vector<1x10000x1xf32> to vector<10000x1xf32>
    %add3A = arith.addf %get3A_3, %get3A_8 : vector<10000x1xf32>
    %add3A_9 = arith.constant 1.000000e+00 : f32
    %add3A_10 = vector.broadcast %add3A_9 : f32 to vector<10000x1xf32>
    %add3A_11 = arith.addf %add3A, %add3A_10 : vector<10000x1xf32>
    %rsqrt3A = math.rsqrt %add3A_11 : vector<10000x1xf32>
    %swap3A = arith.constant 0 : index
    %swap3A_12 = arith.constant 0 : index
    %swap3A_13 = vector.load %arg3[%swap3A, %swap3A_12] : memref<10000x1xf32, #tpu.memory_space<vmem>>, vector<10000x1xf32>
    tpu.vector_store %arg3[%swap3A, %swap3A_12], %rsqrt3A {strides = array<i32>} : memref<10000x1xf32, #tpu.memory_space<vmem>>, vector<10000x1xf32>,
    %get3A_14 = arith.constant 0 : index
    %get3A_15 = arith.constant 0 : index
    %get3A_16 = vector.load %arg1[%get3A_14, %get3A_15] : memref<10000x128xf32, #tpu.memory_space<vmem>>, vector<10000x128xf32>
    %get3A_17 = arith.constant 0 : index
    %get3A_18 = arith.constant 0 : index
    %get3A_19 = vector.load %arg2[%get3A_17, %get3A_18] : memref<128x128xf32, #tpu.memory_space<vmem>>, vector<128x128xf32>
    %dot_general3A = arith.constant dense<0.000000e+00> : vector<10000x128xf32>
    %dot_general3A_20 = tpu.matmul %get3A_16, %get3A_19, %dot_general3A {dimension_numbers = #tpu.dot_dimension_numbers<[1], [0], [0], [1], [0, 0, 1, 1], [], []>, transpose_lhs_hint = false} : vector<10000x128xf32>, vector<128x128xf32>, vector<10000x128xf32> -> vector<10000x128xf32>
    %mul3A = vector.broadcast %rsqrt3A : vector<10000x1xf32> to vector<10000x128xf32>
    %mul3A_21 = arith.mulf %dot_general3A_20, %mul3A : vector<10000x128xf32>
    %swap3A_22 = arith.constant 0 : index
    %swap3A_23 = arith.constant 0 : index
    %swap3A_24 = vector.load %arg4[%swap3A_22, %swap3A_23] : memref<10000x128xf32, #tpu.memory_space<vmem>>, vector<10000x128xf32>
    tpu.vector_store %arg4[%swap3A_22, %swap3A_23], %mul3A_21 {strides = array<i32>} : memref<10000x128xf32, #tpu.memory_space<vmem>>, vector<10000x128xf32>,
    return
  }
}

module attributes {stable_mosaic.version = 14 : i64} {
  func.func @_dense2_body(%arg0: memref<2x10000x128xf32, #tpu.memory_space<vmem>>, %arg1: memref<10000x128xf32, #tpu.memory_space<vmem>>, %arg2: memref<10000x1xf32, #tpu.memory_space<vmem>>, %arg3: memref<1x128xf32, #tpu.memory_space<vmem>>, %arg4: memref<1x128xf32, #tpu.memory_space<vmem>>, %arg5: memref<1x128xf32, #tpu.memory_space<vmem>>, %arg6: memref<128x128xf32, #tpu.memory_space<vmem>>, %arg7: memref<10000x128xf32, #tpu.memory_space<vmem>>) attributes {dimension_semantics = [], scalar_prefetch = 0 : i64, scratch_operands = 0 : i64, tpu.core_type = #tpu.core_type<tc>} {
    %get3A = arith.constant 0 : index
    %get3A_0 = arith.constant 0 : index
    %get3A_1 = vector.load %arg2[%get3A, %get3A_0] : memref<10000x1xf32, #tpu.memory_space<vmem>>, vector<10000x1xf32>
    %get3A_2 = arith.constant 0 : index
    %get3A_3 = arith.constant 0 : index
    %get3A_4 = arith.constant 0 : index
    %get3A_5 = vector.load %arg0[%get3A_2, %get3A_3, %get3A_4] : memref<2x10000x128xf32, #tpu.memory_space<vmem>>, vector<1x10000x128xf32>
    %get3A_6 = vector.shape_cast %get3A_5 : vector<1x10000x128xf32> to vector<10000x128xf32>
    %get3A_7 = arith.constant 1 : index
    %get3A_8 = arith.constant 0 : index
    %get3A_9 = arith.constant 0 : index
    %get3A_10 = vector.load %arg0[%get3A_7, %get3A_8, %get3A_9] : memref<2x10000x128xf32, #tpu.memory_space<vmem>>, vector<1x10000x128xf32>
    %get3A_11 = vector.shape_cast %get3A_10 : vector<1x10000x128xf32> to vector<10000x128xf32>
    %add3A = arith.addf %get3A_6, %get3A_11 : vector<10000x128xf32>
    %get3A_12 = arith.constant 0 : index
    %get3A_13 = arith.constant 0 : index
    %get3A_14 = vector.load %arg1[%get3A_12, %get3A_13] : memref<10000x128xf32, #tpu.memory_space<vmem>>, vector<10000x128xf32>
    %add3A_15 = arith.addf %add3A, %get3A_14 : vector<10000x128xf32>
    %mul3A = vector.broadcast %get3A_1 : vector<10000x1xf32> to vector<10000x128xf32>
    %mul3A_16 = arith.mulf %mul3A, %add3A_15 : vector<10000x128xf32>
    %get3A_17 = arith.constant 0 : index
    %get3A_18 = arith.constant 0 : index
    %get3A_19 = vector.load %arg3[%get3A_17, %get3A_18] : memref<1x128xf32, #tpu.memory_space<vmem>>, vector<1x128xf32>
    %add3A_20 = vector.broadcast %get3A_19 : vector<1x128xf32> to vector<10000x128xf32>
    %add3A_21 = arith.addf %mul3A_16, %add3A_20 : vector<10000x128xf32>
    %reduce_sum3A = arith.constant dense<0.000000e+00> : vector<128xf32>
    %reduce_sum3A_22 = vector.multi_reduction <add>, %add3A_21, %reduce_sum3A [0] : vector<10000x128xf32> to vector<128xf32>
    %broadcast_in_dim3A = vector.shape_cast %reduce_sum3A_22 : vector<128xf32> to vector<1x128xf32>
    %div3A = arith.constant 1.000000e+04 : f32
    %div3A_23 = vector.broadcast %div3A : f32 to vector<1x128xf32>
    %div3A_24 = arith.divf %broadcast_in_dim3A, %div3A_23 : vector<1x128xf32>
    %sub3A = vector.broadcast %div3A_24 : vector<1x128xf32> to vector<10000x128xf32>
    %sub3A_25 = arith.subf %add3A_21, %sub3A : vector<10000x128xf32>
    %mul3A_26 = arith.mulf %sub3A_25, %sub3A_25 : vector<10000x128xf32>
    %reduce_sum3A_27 = arith.constant dense<0.000000e+00> : vector<128xf32>
    %reduce_sum3A_28 = vector.multi_reduction <add>, %mul3A_26, %reduce_sum3A_27 [0] : vector<10000x128xf32> to vector<128xf32>
    %broadcast_in_dim3A_29 = vector.shape_cast %reduce_sum3A_28 : vector<128xf32> to vector<1x128xf32>
    %div3A_30 = arith.constant 1.000000e+04 : f32
    %div3A_31 = vector.broadcast %div3A_30 : f32 to vector<1x128xf32>
    %div3A_32 = arith.divf %broadcast_in_dim3A_29, %div3A_31 : vector<1x128xf32>
    %add3A_33 = arith.constant 9.99999974E-6 : f32
    %add3A_34 = vector.broadcast %add3A_33 : f32 to vector<1x128xf32>
    %add3A_35 = arith.addf %div3A_32, %add3A_34 : vector<1x128xf32>
    %rsqrt3A = math.rsqrt %add3A_35 : vector<1x128xf32>
    %mul3A_36 = vector.broadcast %rsqrt3A : vector<1x128xf32> to vector<10000x128xf32>
    %mul3A_37 = arith.mulf %sub3A_25, %mul3A_36 : vector<10000x128xf32>
    %get3A_38 = arith.constant 0 : index
    %get3A_39 = arith.constant 0 : index
    %get3A_40 = vector.load %arg4[%get3A_38, %get3A_39] : memref<1x128xf32, #tpu.memory_space<vmem>>, vector<1x128xf32>
    %mul3A_41 = vector.broadcast %get3A_40 : vector<1x128xf32> to vector<10000x128xf32>
    %mul3A_42 = arith.mulf %mul3A_37, %mul3A_41 : vector<10000x128xf32>
    %get3A_43 = arith.constant 0 : index
    %get3A_44 = arith.constant 0 : index
    %get3A_45 = vector.load %arg5[%get3A_43, %get3A_44] : memref<1x128xf32, #tpu.memory_space<vmem>>, vector<1x128xf32>
    %add3A_46 = vector.broadcast %get3A_45 : vector<1x128xf32> to vector<10000x128xf32>
    %add3A_47 = arith.addf %mul3A_42, %add3A_46 : vector<10000x128xf32>
    %max3A = arith.constant 0.000000e+00 : f32
    %max3A_48 = vector.broadcast %max3A : f32 to vector<10000x128xf32>
    %max3A_49 = arith.maximumf %add3A_47, %max3A_48 : vector<10000x128xf32>
    %get3A_50 = arith.constant 0 : index
    %get3A_51 = arith.constant 0 : index
    %get3A_52 = vector.load %arg6[%get3A_50, %get3A_51] : memref<128x128xf32, #tpu.memory_space<vmem>>, vector<128x128xf32>
    %dot_general3A = arith.constant dense<0.000000e+00> : vector<10000x128xf32>
    %dot_general3A_53 = tpu.matmul %max3A_49, %get3A_52, %dot_general3A {dimension_numbers = #tpu.dot_dimension_numbers<[1], [0], [0], [1], [0, 0, 1, 1], [], []>, transpose_lhs_hint = false} : vector<10000x128xf32>, vector<128x128xf32>, vector<10000x128xf32> -> vector<10000x128xf32>
    %mul3A_54 = vector.broadcast %get3A_1 : vector<10000x1xf32> to vector<10000x128xf32>
    %mul3A_55 = arith.mulf %dot_general3A_53, %mul3A_54 : vector<10000x128xf32>
    %swap3A = arith.constant 0 : index
    %swap3A_56 = arith.constant 0 : index
    %swap3A_57 = vector.load %arg7[%swap3A, %swap3A_56] : memref<10000x128xf32, #tpu.memory_space<vmem>>, vector<10000x128xf32>
    tpu.vector_store %arg7[%swap3A, %swap3A_56], %mul3A_55 {strides = array<i32>} : memref<10000x128xf32, #tpu.memory_space<vmem>>, vector<10000x128xf32>,
    return
  }
}

module attributes {stable_mosaic.version = 14 : i64} {
  func.func @_dense3_body(%arg0: memref<2x10000x128xf32, #tpu.memory_space<vmem>>, %arg1: memref<10000x128xf32, #tpu.memory_space<vmem>>, %arg2: memref<10000x1xf32, #tpu.memory_space<vmem>>, %arg3: memref<1x128xf32, #tpu.memory_space<vmem>>, %arg4: memref<10000x128xf32, #tpu.memory_space<vmem>>) attributes {dimension_semantics = [], scalar_prefetch = 0 : i64, scratch_operands = 0 : i64, tpu.core_type = #tpu.core_type<tc>} {
    %get3A = arith.constant 0 : index
    %get3A_0 = arith.constant 0 : index
    %get3A_1 = arith.constant 0 : index
    %get3A_2 = vector.load %arg0[%get3A, %get3A_0, %get3A_1] : memref<2x10000x128xf32, #tpu.memory_space<vmem>>, vector<1x10000x128xf32>
    %get3A_3 = vector.shape_cast %get3A_2 : vector<1x10000x128xf32> to vector<10000x128xf32>
    %get3A_4 = arith.constant 1 : index
    %get3A_5 = arith.constant 0 : index
    %get3A_6 = arith.constant 0 : index
    %get3A_7 = vector.load %arg0[%get3A_4, %get3A_5, %get3A_6] : memref<2x10000x128xf32, #tpu.memory_space<vmem>>, vector<1x10000x128xf32>
    %get3A_8 = vector.shape_cast %get3A_7 : vector<1x10000x128xf32> to vector<10000x128xf32>
    %add3A = arith.addf %get3A_3, %get3A_8 : vector<10000x128xf32>
    %get3A_9 = arith.constant 0 : index
    %get3A_10 = arith.constant 0 : index
    %get3A_11 = vector.load %arg1[%get3A_9, %get3A_10] : memref<10000x128xf32, #tpu.memory_space<vmem>>, vector<10000x128xf32>
    %add3A_12 = arith.addf %add3A, %get3A_11 : vector<10000x128xf32>
    %get3A_13 = arith.constant 0 : index
    %get3A_14 = arith.constant 0 : index
    %get3A_15 = vector.load %arg2[%get3A_13, %get3A_14] : memref<10000x1xf32, #tpu.memory_space<vmem>>, vector<10000x1xf32>
    %mul3A = vector.broadcast %get3A_15 : vector<10000x1xf32> to vector<10000x128xf32>
    %mul3A_16 = arith.mulf %mul3A, %add3A_12 : vector<10000x128xf32>
    %get3A_17 = arith.constant 0 : index
    %get3A_18 = arith.constant 0 : index
    %get3A_19 = vector.load %arg3[%get3A_17, %get3A_18] : memref<1x128xf32, #tpu.memory_space<vmem>>, vector<1x128xf32>
    %add3A_20 = vector.broadcast %get3A_19 : vector<1x128xf32> to vector<10000x128xf32>
    %add3A_21 = arith.addf %mul3A_16, %add3A_20 : vector<10000x128xf32>
    %swap3A = arith.constant 0 : index
    %swap3A_22 = arith.constant 0 : index
    %swap3A_23 = vector.load %arg4[%swap3A, %swap3A_22] : memref<10000x128xf32, #tpu.memory_space<vmem>>, vector<10000x128xf32>
    tpu.vector_store %arg4[%swap3A, %swap3A_22], %add3A_21 {strides = array<i32>} : memref<10000x128xf32, #tpu.memory_space<vmem>>, vector<10000x128xf32>,
    return
  }
}

</mosaic_0001>

<sc_bundles>
// kernel: kernel.11.cloned.1.call-start
scs
__scs_entry_jumppad:
0x0: {  	(pc) =	sbr.rel $0x88, $3  }
0x1: {  	(tag) =	ssettag $0x0;
	lr =	simm.s32 $0x1  }
0x2: {  	[smem:$0x3F99] =	sst lr;
	_ =	strace $0xD0000000  }
0x3: {  	_ = 	snop  }
0x4: {  	_ = 	snop  }
0x5: {  	_ = 	snop  }
0x6: {  	_ = 	snop  }
0x7: {  	_ = 	snop  }
__scs_overlays_trampoline_lowered:
0x8: {  	[smem:$0x3FA8] =	sst s0  }
0x9: {  	[smem:$0x3FA9] =	sst s1  }
0xa: {  	[smem:$0x3FAA] =	sst s2  }
0xb: {  	[smem:$0x3FAB] =	sst s3  }
0xc: {  	[smem:$0x3FAC] =	sst s4  }
0xd: {  	[smem:$0x3FAD] =	sst s5  }
0xe: {  	[smem:$0x3FAE] =	sst s6  }
0xf: {  	[smem:$0x3FAF] =	sst s7  }
0x10: {  	[smem:$0x3FB0] =	sst s8  }
0x11: {  	[smem:$0x3FB1] =	sst s9;
	s0 =	simm.s32 @!p0 $0x0  }
0x12: {  	s1 =	sld [smem:$0x3F97];
	s0 =	simm.s32 @p0 $0x1  }
0x13: {  	[smem:$0x3FB2] =	sst s0;
	s0 =	simm.s32 @!p1 $0x0  }
0x14: {  	s2 =	sld [smem:$0x3F96];
	s0 =	simm.s32 @p1 $0x1  }
0x15: {  	[smem:$0x3FB3] =	sst s0;
	s0 =	simm.s32 @!p2 $0x0  }
0x16: {  	s3 =	sld [smem:$0x3FDB];
	s0 =	simm.s32 @p2 $0x1  }
0x17: {  	s4 =	simm.s32 $0x1BF5;
	[smem:$0x3FB5] =	sst s0  }
0x18: {  	s0 =	sld [smem:$0x3F98];
	_ =	swait.ge [sflag:s4], $0x0  }
0x19: {  	s7 =	sld [smem:$0x3F99]  }
0x1a: {  	s8 =	sadd.s32 $0xFFFFE003, lr  }
0x1b: {  	s9 =	sadd.s32 $0xFFFFFEF7, lr;
	s5 =	simm.s32 $0xFFFFFFFF;
	p2 =	slt.u32 s8, $0xFFFFF086  }
0x1c: {  	p1 =	slt.u32 s9, $0xF7A;
	s5 =	simm.s32 @!p2 $0x0  }
0x1d: {  	s5 =	simm.s32 @p1 $0x1;
	p0 =	seq.s32 s7, s2  }
0x1e: {  	s7 =	smul.u32 @!p0 $0xF7A, s2;
	p2 =	seq.s32 @!p0 s5, $0x0  }
0x1f: {  	s9 =	smul.u32 $0xF7A, s1;
	s8 =	simm.s32 @!p0 $0x1BF5;
	p2 =	por !p2, p0  }
0x20: {  	[sflag:s8] =	ssyncset.s32 @!p0 $0xFFFFF086;
	s6 =	sadd.s32 @!p0 s3, s7;
	s7 =	simm.s32 @!p0 $0x108  }
0x21: {  	s3 =	sadd.s32 s3, s9;
	s6 =	sadd.s32 @!p0 $0x88, s6;
	s7 =	simm.s32 @p2 $0x1082  }
0x22: {  	[simem:s7], [sflag:s8] =	dma.local @!p0 [hbm:s6], $0xF7A  }
0x23: {  	s9 =	sor.u32 $0xD0000000, s2;
	s6 =	simm.s32 $0x108;
	_ =	swait.ge @!p0 [sflag:s8], $0x0  }
0x24: {  	s3 =	sadd.s32 $0x88, s3;
	s6 =	simm.s32 @!p1 $0x1082;
	[sflag:s4] =	ssyncset.s32 $0xFFFFF086  }
0x25: {  	[simem:s6], [sflag:s4] =	dma.local [hbm:s3], $0xF7A  }
0x26: {  	[smem:$0x3F99] =	sst s1;
	(tag) =	ssettag s2;
	_ =	strace s9  }
0x27: {  	s1 =	sld [smem:$0x3FA9]  }
0x28: {  	s2 =	sld [smem:$0x3FAA]  }
0x29: {  	s4 =	sld [smem:$0x3FAC]  }
0x2a: {  	p0 =	seq.s32 s5, $0x0;
	s5 =	sld [smem:$0x3FAD]  }
0x2b: {  	s6 =	sld [smem:$0x3FAE]  }
0x2c: {  	s7 =	sld [smem:$0x3FAF]  }
0x2d: {  	s3 =	simm.s32 $0x108;
	s8 =	sld [smem:$0x3FB0]  }
0x2e: {  	s3 =	simm.s32 @!p0 $0x1082;
	s9 =	sld [smem:$0x3FB1]  }
0x2f: {  	lr =	sadd.s32 s0, s3;
	s0 =	sld [smem:$0x3FA8]  }
0x30: {  	s3 =	sld [smem:$0x3FAB]  }
0x31: {  	[smem:$0x3FB4] =	sst s10  }
0x32: {  	s10 =	sld [smem:$0x3FB2];
	_ =	sdelay $0x3  }
0x33: {  	p0 =	seq.s32 s10, $0x1;
	s10 =	sld [smem:$0x3FB4];
	_ =	sdelay $0x3  }
0x34: {  	[smem:$0x3FB4] =	sst s10  }
0x35: {  	s10 =	sld [smem:$0x3FB3];
	_ =	sdelay $0x3  }
0x36: {  	p1 =	seq.s32 s10, $0x1;
	s10 =	sld [smem:$0x3FB4];
	_ =	sdelay $0x3  }
0x37: {  	[smem:$0x3FB4] =	sst s10  }
0x38: {  	s10 =	sld [smem:$0x3FB5]  }
0x39: {  	_ = 	snop;
	(pc) =	sbr.ind lr, $3  }
0x3a: {  	_ = 	snop  }
0x3b: {  	_ = 	snop  }
0x3c: {  	p2 =	seq.s32 s10, $0x1;
	s10 =	sld [smem:$0x3FB4]  }
0x3d: {  	_ =	shalt  }
0x3e: {  	_ =	shalt  }
0x3f: {  	_ =	shalt  }
0x40: {  	_ =	shalt  }
0x41: {  	_ =	shalt  }
0x42: {  	_ =	shalt  }
0x43: {  	_ =	shalt  }
0x44: {  	_ =	shalt  }
0x45: {  	_ =	shalt  }
0x46: {  	_ =	shalt  }
0x47: {  	_ =	shalt  }
0x48: {  	_ =	shalt  }
0x49: {  	_ =	shalt  }
0x4a: {  	_ =	shalt  }
0x4b: {  	_ =	shalt  }
0x4c: {  	_ =	shalt  }
0x4d: {  	_ =	shalt  }
0x4e: {  	_ =	shalt  }
0x4f: {  	_ =	shalt  }
0x50: {  	_ =	shalt  }
0x51: {  	_ =	shalt  }
0x52: {  	_ =	shalt  }
0x53: {  	_ =	shalt  }
0x54: {  	_ =	shalt  }
0x55: {  	_ =	shalt  }
0x56: {  	_ =	shalt  }
0x57: {  	_ =	shalt  }
0x58: {  	_ =	shalt  }
0x59: {  	_ =	shalt  }
0x5a: {  	_ =	shalt  }
0x5b: {  	_ =	shalt  }
0x5c: {  	_ =	shalt  }
0x5d: {  	_ =	shalt  }
0x5e: {  	_ =	shalt  }
0x5f: {  	_ =	shalt  }
0x60: {  	_ =	shalt  }
0x61: {  	_ =	shalt  }
0x62: {  	_ =	shalt  }
0x63: {  	_ =	shalt  }
0x64: {  	_ =	shalt  }
0x65: {  	_ =	shalt  }
0x66: {  	_ =	shalt  }
0x67: {  	_ =	shalt  }
0x68: {  	_ =	shalt  }
0x69: {  	_ =	shalt  }
0x6a: {  	_ =	shalt  }
0x6b: {  	_ =	shalt  }
0x6c: {  	_ =	shalt  }
0x6d: {  	_ =	shalt  }
0x6e: {  	_ =	shalt  }
0x6f: {  	_ =	shalt  }
0x70: {  	_ =	shalt  }
0x71: {  	_ =	shalt  }
0x72: {  	_ =	shalt  }
0x73: {  	_ =	shalt  }
0x74: {  	_ =	shalt  }
0x75: {  	_ =	shalt  }
0x76: {  	_ =	shalt  }
0x77: {  	_ =	shalt  }
0x78: {  	_ =	shalt  }
0x79: {  	_ =	shalt  }
0x7a: {  	_ =	shalt  }
0x7b: {  	_ =	shalt  }
0x7c: {  	_ =	shalt  }
0x7d: {  	_ =	shalt  }
0x7e: {  	_ =	shalt  }
0x7f: {  	_ =	shalt  }
0x80: {  	_ =	shalt  }
0x81: {  	_ =	shalt  }
0x82: {  	_ =	shalt  }
0x83: {  	_ =	shalt  }
0x84: {  	_ =	shalt  }
0x85: {  	_ =	shalt  }
0x86: {  	_ =	shalt  }
0x87: {  	_ =	shalt  }
.Lfunc_end0:
.L_simem_size_0:
called_computation.1_lowered:
.L_overlay_start_0:
0x88: {  	s2 =	sld [smem:$0x3FD9]  }
0x89: {  	s3 =	sld [smem:$0x3FFE];
	_ =	sdelay $0x1  }
0x8a: {  	s1 =	srdreg.scid  }
0x8b: {  	s0 =	sand.u32 $0x1, s1  }
0x8c: {  	s17 =	sshll.u32 s0, $0xA;
	s2 =	sadd.s32 s3, s2  }
0x8d: {  	s2 =	sadd.s32 s2, s17  }
0x8e: {  	[smem:$0x3FC0] =	sst s2  }
0x8f: {  	_ = 	snop  }
0x90: {  	s2 =	sld [smem:$0x3FD0];
	(tm) =	ssettm $0x1  }
0x91: {  	s18 =	sld [smem:$0x3FFB];
	_ =	sdelay $0x3  }
0x92: {  	_ =	strace s18  }
0x93: {  	s3 =	sld [smem:$0x3FFC];
	_ =	sdelay $0x3  }
0x94: {  	_ =	strace s3  }
0x95: {  	s3 =	sld [smem:$0x3FFD];
	_ =	sdelay $0x3  }
0x96: {  	_ =	strace s3  }
0x97: {  	_ =	strace $0x8FFFFFFF  }
0x98: {  	s19 =	sld [smem:$0x3FDB];
	_ =	sdelay $0x1  }
0x99: {  	s4 =	simm.s32 $_scs_section_size  }
0x9a: {  	s5 =	simm.s32 $_size__tile_overlayer_lowered;
	s6 =	simm.s32 $_tile_overlayer_lowered  }
0x9b: {  	s22 =	simm.s32 $0x1BFF;
	s21 =	sshll.u32 s6, $0x1;
	s3 =	sadd.s32 s4, s19  }
0x9c: {  	s7 =	simm.s32 $0x0;
	s20 =	sshll.u32 s5, $0x1;
	s5 =	sadd.s32 s21, s3  }
0x9d: {  	[timem:s7], [sflag:s22] =	dma.local [hbm:s5], s20  }
0x9e: {  	_ =	swait.ge [sflag:s22], s20  }
0x9f: {  	s4 =	ssub.s32 $0x0, s20;
	[sflag:s22] =	ssyncset.done $0x0  }
0xa0: {  	[sflag:s22] =	ssyncadd.s32 s4;
	_ =	sdelay $0x1  }
0xa1: {  	s23 =	simm.s32 $0x1B8B  }
0xa2: {  	_ =	swait.ge [sflag:s23], $0x1  }
0xa3: {  	[sflag:s23] =	ssyncset.done $0x0  }
0xa4: {  	s25 =	simm.s32 $0x1B8E;
	s24 =	sld [smem:$0x3FFE];
	[sflag:s23] =	ssyncadd.s32 $0xFFFFFFFF  }
0xa5: {  	s26 =	simm.s32 $execute0_lowered;
	[smem:$0x3FD2] =	sst s25  }
0xa6: {  	s5 =	sshll.u32 s26, $0x1;
	_ =	strace $0x80000049;
	[dreg:$0x1] =	wrdreg $0xFFFFFFFF  }
0xa7: {  	s28 =	simm.s32 $_size_execute0_lowered;
	s3 =	sadd.s32 s3, s5;
	[dreg:$0x0] =	wrdreg $0x0  }
0xa8: {  	s5 =	sshll.u32 s28, $0x1;
	[dreg:$0x2] =	wrdreg s3  }
0xa9: {  	[dreg:$0x3] =	wrdreg s5  }
0xaa: {  	[dreg:$0x4] =	wrdreg $0xC0  }
0xab: {  	_ =	task [dreg:s7], $0x5FFFF  }
0xac: {  	[dreg:$0x1] =	wrdreg $0xFFFFFFFF  }
0xad: {  	[dreg:$0x0] =	wrdreg $0x60  }
0xae: {  	[dreg:$0x2] =	wrdreg s24  }
0xaf: {  	[dreg:$0x3] =	wrdreg s2  }
0xb0: {  	[dreg:$0x4] =	wrdreg $0x90000  }
0xb1: {  	[dreg:$0x5] =	wrdreg $0x9  }
0xb2: {  	_ =	task.clear_ibuf [dreg:s7], $0x6FFFF;
	_ =	strace $0x90000049  }
0xb3: {  	s29 =	simm.s32 $0x9;
	_ =	strace $0x8000004B  }
0xb4: {  	_ =	swait.ge [sflag:s29], $0x1  }
0xb5: {  	[sflag:s29] =	ssyncadd.s32 $0xFFFFFFFF  }
0xb6: {  	_ =	strace $0x9000004B  }
0xb7: {  	_ =	sfence  }
0xb8: {  	s30 =	sld [smem:$0x0];
	_ =	sdelay $0x2  }
0xb9: {  	s31 =	sshll.u32 s1, $0xD;
	s1 =	sshrl.u32 s1, $0x2  }
0xba: {  	s3 =	sand.u32 $0x4000, s31;
	s1 =	sadd.s32 s1, s30  }
0xbb: {  	s0 =	sor.u32 s3, s0;
	s1 =	sshll.u32 s1, $0x11  }
0xbc: {  	s0 =	sor.u32 s1, s0  }
0xbd: {  	s0 =	sadd.s32 $0x8F2B, s0  }
0xbe: {  	[sflag:s0] =	ssyncadd.remote.s32 $0x1  }
0xbf: {  	_ =	sfence.sel $0xFFFF  }
0xc0: {  	[dreg:$0x0] =	wrdreg $0xFFFFFFFF;
	(pc) =	sbr.abs _section_cstart, $3  }
0xc1: {  	[dreg:$0x1] =	wrdreg $0xFFFFFFFF  }
0xc2: {  	_ =	task.clear_ibuf [dreg:s7], $0x2FFFF;
	_ =	strace $0x9FFFFFFF  }
0xc3: {  	(tm) =	ssettm $0x7FFFFFFF  }
tec
execute0_lowered:
.L_overlay_start_1:
0x0: {  	(tag) =	ssettag $0x1  }
0x1: {  	s6 =	rddreg [dreg:$0x0]  }
0x2: {  	s0 =	srdreg.scid;
	s2 =	rddreg [dreg:$0x1]  }
0x3: {  	s3 =	rddreg [dreg:$0x2];
	s4 =	simm.s32 $0x0;
	s16 =	simm.s32 $0x7D  }
0x4: {  	s17 =	simm.s32 $0x5000;
	s18 =	simm.s32 $0x1;
	s19 =	simm.s32 $0x0  }
0x5: {  	s7 =	sand.u32 $0x1, s0;
	s0 =	stileid.u32;
	[smem:$0x7FF] =	sst s4  }
0x6: {  	s12 =	sadd.s32 $0xEC00, s6;
	s15 =	sadd.s32 $0x138000, s3;
	s11 =	smul.u32 $0x4E000, s0  }
0x7: {  	s1 =	sshll.u32 s7, $0x4;
	s9 =	ssub.s32 $0x2, s7;
	s26 =	smul.u32 $0x138800, s7  }
0x8: {  	s29 =	sshll.u32 s0, $0x6;
	s30 =	smul.u32 $0x13800, s0;
	p0 =	sne.s32 s0, $0xF  }
0x9: {  	s5 =	sor.u32 s0, s1;
	s1 =	rddreg [dreg:$0x3];
	s10 =	sshrl.u32 s9, $0x1  }
0xa: {  	_ =	strace $0x8000004A;
	s5 =	smul.u32 $0x500, s5;
	s13 =	ssub.s32 s9, s10  }
0xb: {  	s28 =	sshrl.u32 s11, $0x2;
	s10 =	sadd.s32 s30, s26;
	s9 =	sshrl.u32 s26, $0x3  }
0xc: {  	s14 =	sadd.s32 s28, s3;
	s10 =	sshrl.u32 s10, $0x3;
	s31 =	sadd.s32 s12, s9  }
0xd: {  	s11 =	smax.u32 s13, $0x1;
	s13 =	simm.s32 $0x2;
	s8 =	sadd.s32 s5, s6  }
0xe: {  	s5 =	sadd.s32 $0xC400, s6;
	s6 =	sor.u32 $0x1C02, s29;
	s9 =	sadd.s32 s12, s10  }
0xf: {  	s10 =	sadd.s32 $0x27000, s31;
	s12 =	sshrl.u32 s14, $0x3;
	s14 =	sshrl.u32 @!p0 s15, $0x3  }
0x10: {  	s15 =	simm.s32 $0x2800;
	s7 =	sadd.s32 $0x5CE00, s8;
	s8 =	sadd.s32 $0x2400, s8  }
.LBB2_1:
0x11: {  	[spmem:s12], [sflag:s6] =	dma.local [hbm:s5], $0x2700  }
0x12: {  	_ =	swait.ge [sflag:s13], $0x2700  }
0x13: {  	[sflag:s13] =	ssyncset.done $0x0  }
0x14: {  	s20 =	simm.s32 @!p0 $0x2;
	[sflag:s13] =	ssyncadd.s32 $0xFFFFD900  }
0x15: {  	[spmem:s14], [sflag:s6] =	dma.local @!p0 [hbm:s5], $0x100  }
0x16: {  	_ =	swait.ge @!p0 [sflag:s20], $0x100  }
0x17: {  	[sflag:s20] =	ssyncset.done @!p0 $0x0  }
0x18: {  	[sflag:s20] =	ssyncadd.s32 @!p0 $0xFFFFFF00  }
0x19: {  	[tilespmem:s4], [sflag:$0x2] =	stream.linear.gather [hbm4b:s7+s4], $0x2800, $0x38;
	[tilespmem:$0x1C880] =	vst v63  }
0x1a: {  	_ =	swait.ge [sflag:s13], $0x2800  }
0x1b: {  	[sflag:s13] =	ssyncset.done $0x0  }
0x1c: {  	[sflag:s13] =	ssyncadd.s32 $0xFFFFD800  }
0x1d: {  	[tilespmem:s15], [sflag:$0x2] =	stream.linear.gather [hbm4b:s8+s4], $0x2800, $0x38;
	[tilespmem:$0x1C880] =	vst v63  }
0x1e: {  	_ =	swait.ge [sflag:s13], $0x2800  }
0x1f: {  	[sflag:s13] =	ssyncset.done $0x0  }
0x20: {  	[sflag:s13] =	ssyncadd.s32 $0xFFFFD800  }
0x21: {  	s30 =	simm.s32 $0x0;
	[bflag:$0x0] =	sbarrier.arrive $0xFFFF  }
0x22: {  	[tilespmem:s17], [sflag:$0x1] =	stream.indirect.gather [hbm4b:s2+s16], $0x80, s30, s16, $0xb8;
	[tilespmem:$0x1C880] =	vst v63  }
0x23: {  	_ =	swait.ge [sflag:s18], $0x3E80  }
0x24: {  	[sflag:s18] =	ssyncset.done $0x0  }
0x25: {  	s31 =	simm.s32 $0x2800;
	[sflag:s18] =	ssyncadd.s32 $0xFFFFC180  }
0x26: {  	[spmem:s3] =	stream.indirect.scatter.add.f32 [tilespmem:s17], [sflag:$0x2], $0x80, s31, s16, $0xb8;
	[tilespmem:$0x1C880] =	vst v63  }
0x27: {  	_ =	swait.ge [sflag:s13], $0x3E80  }
0x28: {  	s21 =	simm.s32 $0x400;
	s20 =	simm.s32 $0x200;
	[sflag:s13] =	ssyncset.done $0x0  }
.LBB2_2:
0x29: {  	s22 =	sshra.s32 s20, $0x2  }
0x2a: {  	[sflag:s13] =	ssyncadd.s32 $0xFFFFC180;
	s20 =	smov.u32 s21;
	s23 =	sadd.s32 $0x200, s21  }
0x2b: {  	[tilespmem:s17], [sflag:$0x1] =	stream.indirect.gather [hbm4b:s2+s16], $0x80, s22, s16, $0xb8;
	[tilespmem:$0x1C880] =	vst v63  }
0x2c: {  	p1 =	sne.s32 s21, $0x9E00;
	_ =	swait.ge [sflag:s18], $0x3E80  }
.Ltmp0:
0x2d: {  	[sflag:s18] =	ssyncset.done $0x0;
	(pc) =	sbr.rel @p1 .LBB2_2-.Ltmp0, $4  }
0x2e: {  	s21 =	sadd.s32 $0x2800, s22;
	[sflag:s18] =	ssyncadd.s32 $0xFFFFC180  }
0x2f: {  	[spmem:s3] =	stream.indirect.scatter.add.f32 [tilespmem:s17], [sflag:$0x2], $0x80, s21, s16, $0xb8;
	[tilespmem:$0x1C880] =	vst v63  }
0x30: {  	_ =	swait.ge [sflag:s13], $0x3E80  }
0x31: {  	s21 =	smov.u32 s23;
	[sflag:s13] =	ssyncset.done $0x0  }
0x32: {  	s20 =	sshra.s32 s20, $0x2;
	[sflag:s13] =	ssyncadd.s32 $0xFFFFC180  }
0x33: {  	[tilespmem:s17], [sflag:$0x1] =	stream.indirect.gather [hbm4b:s2+s16], $0x80, s20, s16, $0xb8;
	[tilespmem:$0x1C880] =	vst v63  }
0x34: {  	_ =	swait.ge [sflag:s18], $0x3E80  }
0x35: {  	[sflag:s18] =	ssyncset.done $0x0  }
0x36: {  	s20 =	sadd.s32 $0x2800, s20;
	[sflag:s18] =	ssyncadd.s32 $0xFFFFC180  }
0x37: {  	[spmem:s3] =	stream.indirect.scatter.add.f32 [tilespmem:s17], [sflag:$0x2], $0x80, s20, s16, $0xb8;
	[tilespmem:$0x1C880] =	vst v63  }
0x38: {  	_ =	swait.ge [sflag:s13], $0x3E80  }
0x39: {  	[sflag:s13] =	ssyncset.done $0x0  }
0x3a: {  	[sflag:s13] =	ssyncadd.s32 $0xFFFFC180  }
0x3b: {  	[bflag:$0x0] =	sbarrier.arrive $0xFFFF  }
0x3c: {  	[hbm:s9], [sflag:s6] =	dma.local [spmem:s12], $0x2700  }
0x3d: {  	s19 =	sadd.s32 $0x1, s19;
	_ =	swait.ge [sflag:s13], $0x2700  }
0x3e: {  	p1 =	sne.s32 s19, s11;
	[sflag:s13] =	ssyncset.done $0x0  }
.Ltmp1:
0x3f: {  	s20 =	simm.s32 @!p0 $0x2;
	[sflag:s13] =	ssyncadd.s32 $0xFFFFD900;
	(pc) =	sbr.rel @p1 .LBB2_1-.Ltmp1, $4  }
0x40: {  	[hbm:s10], [sflag:s6] =	dma.local @!p0 [spmem:s14], $0x100  }
0x41: {  	_ =	swait.ge @!p0 [sflag:s20], $0x100  }
0x42: {  	[sflag:s20] =	ssyncset.done @!p0 $0x0  }
0x43: {  	[sflag:s20] =	ssyncadd.s32 @!p0 $0xFFFFFF00  }
0x44: {  	_ =	sfence.sel $0x180000  }
0x45: {  	[bflag:$0x0] =	sbarrier.arrive $0xFFFF  }
0x46: {  	p0 =	sne.s32 s0, $0x0;
	_ =	strace $0x9000004A  }
0x47: {  	s0 =	sadd.s32 @!p0 $0x100000, s1;
	[bflag:$0x2] =	sbarrier.arrive $0xFFFF  }
0x48: {  	[sflag:s0] =	ssyncadd.tile.s32 @!p0 $0x1;
	_ =	shalt  }
.Lfunc_end2:
_tile_overlayer_lowered:
.L_overlay_start_2:
0x49: {  	(tag) =	ssettag $0x2  }
0x4a: {  	s0 =	rddreg [dreg:$0x0];
	s2 =	stileid.u32  }
0x4b: {  	s1 =	rddreg [dreg:$0x1];
	p0 =	sne.s32 s2, $0x0  }
0x4c: {  	s3 =	rddreg [dreg:$0x2];
	[bflag:$0x3] =	sbarrier.arrive $0xFFFF;
	s2 =	simm.s32 @!p0 $0x1C02  }
0x4d: {  	[timem:s3], [sflag:s2] =	dma.local @!p0 [hbm:s0], s1  }
0x4e: {  	s0 =	simm.s32 @!p0 $0x2  }
0x4f: {  	_ =	swait.ge @!p0 [sflag:s0], s1  }
0x50: {  	s1 =	ssub.s32 @!p0 $0x0, s1;
	[sflag:s0] =	ssyncset.done @!p0 $0x0  }
0x51: {  	[sflag:s0] =	ssyncadd.s32 @!p0 s1  }
0x52: {  	[bflag:$0x3] =	sbarrier.arrive $0xFFFF  }
0x53: {  	_ =	shalt  }

// kernel: kernel.14.cloned.1.call-start
scs
__scs_entry_jumppad:
0x0: {  	(pc) =	sbr.rel $0x88, $3  }
0x1: {  	(tag) =	ssettag $0x0;
	lr =	simm.s32 $0x1  }
0x2: {  	[smem:$0x3F99] =	sst lr;
	_ =	strace $0xD0000000  }
0x3: {  	_ = 	snop  }
0x4: {  	_ = 	snop  }
0x5: {  	_ = 	snop  }
0x6: {  	_ = 	snop  }
0x7: {  	_ = 	snop  }
__scs_overlays_trampoline_lowered:
0x8: {  	[smem:$0x3FA8] =	sst s0  }
0x9: {  	[smem:$0x3FA9] =	sst s1  }
0xa: {  	[smem:$0x3FAA] =	sst s2  }
0xb: {  	[smem:$0x3FAB] =	sst s3  }
0xc: {  	[smem:$0x3FAC] =	sst s4  }
0xd: {  	[smem:$0x3FAD] =	sst s5  }
0xe: {  	[smem:$0x3FAE] =	sst s6  }
0xf: {  	[smem:$0x3FAF] =	sst s7  }
0x10: {  	[smem:$0x3FB0] =	sst s8  }
0x11: {  	[smem:$0x3FB1] =	sst s9;
	s0 =	simm.s32 @!p0 $0x0  }
0x12: {  	s1 =	sld [smem:$0x3F97];
	s0 =	simm.s32 @p0 $0x1  }
0x13: {  	[smem:$0x3FB2] =	sst s0;
	s0 =	simm.s32 @!p1 $0x0  }
0x14: {  	s2 =	sld [smem:$0x3F96];
	s0 =	simm.s32 @p1 $0x1  }
0x15: {  	[smem:$0x3FB3] =	sst s0;
	s0 =	simm.s32 @!p2 $0x0  }
0x16: {  	s3 =	sld [smem:$0x3FDB];
	s0 =	simm.s32 @p2 $0x1  }
0x17: {  	s4 =	simm.s32 $0x1BF5;
	[smem:$0x3FB5] =	sst s0  }
0x18: {  	s0 =	sld [smem:$0x3F98];
	_ =	swait.ge [sflag:s4], $0x0  }
0x19: {  	s7 =	sld [smem:$0x3F99]  }
0x1a: {  	s8 =	sadd.s32 $0xFFFFE003, lr  }
0x1b: {  	s9 =	sadd.s32 $0xFFFFFEF7, lr;
	s5 =	simm.s32 $0xFFFFFFFF;
	p2 =	slt.u32 s8, $0xFFFFF086  }
0x1c: {  	p1 =	slt.u32 s9, $0xF7A;
	s5 =	simm.s32 @!p2 $0x0  }
0x1d: {  	s5 =	simm.s32 @p1 $0x1;
	p0 =	seq.s32 s7, s2  }
0x1e: {  	s7 =	smul.u32 @!p0 $0xF7A, s2;
	p2 =	seq.s32 @!p0 s5, $0x0  }
0x1f: {  	s9 =	smul.u32 $0xF7A, s1;
	s8 =	simm.s32 @!p0 $0x1BF5;
	p2 =	por !p2, p0  }
0x20: {  	[sflag:s8] =	ssyncset.s32 @!p0 $0xFFFFF086;
	s6 =	sadd.s32 @!p0 s3, s7;
	s7 =	simm.s32 @!p0 $0x108  }
0x21: {  	s3 =	sadd.s32 s3, s9;
	s6 =	sadd.s32 @!p0 $0x88, s6;
	s7 =	simm.s32 @p2 $0x1082  }
0x22: {  	[simem:s7], [sflag:s8] =	dma.local @!p0 [hbm:s6], $0xF7A  }
0x23: {  	s9 =	sor.u32 $0xD0000000, s2;
	s6 =	simm.s32 $0x108;
	_ =	swait.ge @!p0 [sflag:s8], $0x0  }
0x24: {  	s3 =	sadd.s32 $0x88, s3;
	s6 =	simm.s32 @!p1 $0x1082;
	[sflag:s4] =	ssyncset.s32 $0xFFFFF086  }
0x25: {  	[simem:s6], [sflag:s4] =	dma.local [hbm:s3], $0xF7A  }
0x26: {  	[smem:$0x3F99] =	sst s1;
	(tag) =	ssettag s2;
	_ =	strace s9  }
0x27: {  	s1 =	sld [smem:$0x3FA9]  }
0x28: {  	s2 =	sld [smem:$0x3FAA]  }
0x29: {  	s4 =	sld [smem:$0x3FAC]  }
0x2a: {  	p0 =	seq.s32 s5, $0x0;
	s5 =	sld [smem:$0x3FAD]  }
0x2b: {  	s6 =	sld [smem:$0x3FAE]  }
0x2c: {  	s7 =	sld [smem:$0x3FAF]  }
0x2d: {  	s3 =	simm.s32 $0x108;
	s8 =	sld [smem:$0x3FB0]  }
0x2e: {  	s3 =	simm.s32 @!p0 $0x1082;
	s9 =	sld [smem:$0x3FB1]  }
0x2f: {  	lr =	sadd.s32 s0, s3;
	s0 =	sld [smem:$0x3FA8]  }
0x30: {  	s3 =	sld [smem:$0x3FAB]  }
0x31: {  	[smem:$0x3FB4] =	sst s10  }
0x32: {  	s10 =	sld [smem:$0x3FB2];
	_ =	sdelay $0x3  }
0x33: {  	p0 =	seq.s32 s10, $0x1;
	s10 =	sld [smem:$0x3FB4];
	_ =	sdelay $0x3  }
0x34: {  	[smem:$0x3FB4] =	sst s10  }
0x35: {  	s10 =	sld [smem:$0x3FB3];
	_ =	sdelay $0x3  }
0x36: {  	p1 =	seq.s32 s10, $0x1;
	s10 =	sld [smem:$0x3FB4];
	_ =	sdelay $0x3  }
0x37: {  	[smem:$0x3FB4] =	sst s10  }
0x38: {  	s10 =	sld [smem:$0x3FB5]  }
0x39: {  	_ = 	snop;
	(pc) =	sbr.ind lr, $3  }
0x3a: {  	_ = 	snop  }
0x3b: {  	_ = 	snop  }
0x3c: {  	p2 =	seq.s32 s10, $0x1;
	s10 =	sld [smem:$0x3FB4]  }
0x3d: {  	_ =	shalt  }
0x3e: {  	_ =	shalt  }
0x3f: {  	_ =	shalt  }
0x40: {  	_ =	shalt  }
0x41: {  	_ =	shalt  }
0x42: {  	_ =	shalt  }
0x43: {  	_ =	shalt  }
0x44: {  	_ =	shalt  }
0x45: {  	_ =	shalt  }
0x46: {  	_ =	shalt  }
0x47: {  	_ =	shalt  }
0x48: {  	_ =	shalt  }
0x49: {  	_ =	shalt  }
0x4a: {  	_ =	shalt  }
0x4b: {  	_ =	shalt  }
0x4c: {  	_ =	shalt  }
0x4d: {  	_ =	shalt  }
0x4e: {  	_ =	shalt  }
0x4f: {  	_ =	shalt  }
0x50: {  	_ =	shalt  }
0x51: {  	_ =	shalt  }
0x52: {  	_ =	shalt  }
0x53: {  	_ =	shalt  }
0x54: {  	_ =	shalt  }
0x55: {  	_ =	shalt  }
0x56: {  	_ =	shalt  }
0x57: {  	_ =	shalt  }
0x58: {  	_ =	shalt  }
0x59: {  	_ =	shalt  }
0x5a: {  	_ =	shalt  }
0x5b: {  	_ =	shalt  }
0x5c: {  	_ =	shalt  }
0x5d: {  	_ =	shalt  }
0x5e: {  	_ =	shalt  }
0x5f: {  	_ =	shalt  }
0x60: {  	_ =	shalt  }
0x61: {  	_ =	shalt  }
0x62: {  	_ =	shalt  }
0x63: {  	_ =	shalt  }
0x64: {  	_ =	shalt  }
0x65: {  	_ =	shalt  }
0x66: {  	_ =	shalt  }
0x67: {  	_ =	shalt  }
0x68: {  	_ =	shalt  }
0x69: {  	_ =	shalt  }
0x6a: {  	_ =	shalt  }
0x6b: {  	_ =	shalt  }
0x6c: {  	_ =	shalt  }
0x6d: {  	_ =	shalt  }
0x6e: {  	_ =	shalt  }
0x6f: {  	_ =	shalt  }
0x70: {  	_ =	shalt  }
0x71: {  	_ =	shalt  }
0x72: {  	_ =	shalt  }
0x73: {  	_ =	shalt  }
0x74: {  	_ =	shalt  }
0x75: {  	_ =	shalt  }
0x76: {  	_ =	shalt  }
0x77: {  	_ =	shalt  }
0x78: {  	_ =	shalt  }
0x79: {  	_ =	shalt  }
0x7a: {  	_ =	shalt  }
0x7b: {  	_ =	shalt  }
0x7c: {  	_ =	shalt  }
0x7d: {  	_ =	shalt  }
0x7e: {  	_ =	shalt  }
0x7f: {  	_ =	shalt  }
0x80: {  	_ =	shalt  }
0x81: {  	_ =	shalt  }
0x82: {  	_ =	shalt  }
0x83: {  	_ =	shalt  }
0x84: {  	_ =	shalt  }
0x85: {  	_ =	shalt  }
0x86: {  	_ =	shalt  }
0x87: {  	_ =	shalt  }
.Lfunc_end0:
.L_simem_size_0:
called_computation.2_lowered:
.L_overlay_start_0:
0x88: {  	s2 =	sld [smem:$0x3FD9]  }
0x89: {  	s3 =	sld [smem:$0x3FFE];
	_ =	sdelay $0x1  }
0x8a: {  	s1 =	srdreg.scid  }
0x8b: {  	s0 =	sand.u32 $0x1, s1  }
0x8c: {  	s17 =	sshll.u32 s0, $0xA;
	s2 =	sadd.s32 s3, s2  }
0x8d: {  	s2 =	sadd.s32 s2, s17  }
0x8e: {  	[smem:$0x3FC0] =	sst s2  }
0x8f: {  	_ = 	snop  }
0x90: {  	s2 =	sld [smem:$0x3FD0];
	(tm) =	ssettm $0x1  }
0x91: {  	s18 =	sld [smem:$0x3FFB];
	_ =	sdelay $0x3  }
0x92: {  	_ =	strace s18  }
0x93: {  	s3 =	sld [smem:$0x3FFC];
	_ =	sdelay $0x3  }
0x94: {  	_ =	strace s3  }
0x95: {  	s3 =	sld [smem:$0x3FFD];
	_ =	sdelay $0x3  }
0x96: {  	_ =	strace s3  }
0x97: {  	_ =	strace $0x8FFFFFFF  }
0x98: {  	s19 =	sld [smem:$0x3FDB];
	_ =	sdelay $0x1  }
0x99: {  	s4 =	simm.s32 $_scs_section_size  }
0x9a: {  	s5 =	simm.s32 $_size__tile_overlayer_lowered;
	s6 =	simm.s32 $_tile_overlayer_lowered  }
0x9b: {  	s22 =	simm.s32 $0x1BFF;
	s21 =	sshll.u32 s6, $0x1;
	s3 =	sadd.s32 s4, s19  }
0x9c: {  	s7 =	simm.s32 $0x0;
	s20 =	sshll.u32 s5, $0x1;
	s5 =	sadd.s32 s21, s3  }
0x9d: {  	[timem:s7], [sflag:s22] =	dma.local [hbm:s5], s20  }
0x9e: {  	_ =	swait.ge [sflag:s22], s20  }
0x9f: {  	s4 =	ssub.s32 $0x0, s20;
	[sflag:s22] =	ssyncset.done $0x0  }
0xa0: {  	[sflag:s22] =	ssyncadd.s32 s4;
	_ =	sdelay $0x1  }
0xa1: {  	s23 =	simm.s32 $0x1B8B  }
0xa2: {  	_ =	swait.ge [sflag:s23], $0x1  }
0xa3: {  	[sflag:s23] =	ssyncset.done $0x0  }
0xa4: {  	s25 =	simm.s32 $0x1B8E;
	s24 =	sld [smem:$0x3FFE];
	[sflag:s23] =	ssyncadd.s32 $0xFFFFFFFF  }
0xa5: {  	s26 =	simm.s32 $execute0_lowered;
	[smem:$0x3FD2] =	sst s25  }
0xa6: {  	s5 =	sshll.u32 s26, $0x1;
	_ =	strace $0x8000004C;
	[dreg:$0x1] =	wrdreg $0xFFFFFFFF  }
0xa7: {  	s28 =	simm.s32 $_size_execute0_lowered;
	s3 =	sadd.s32 s3, s5;
	[dreg:$0x0] =	wrdreg $0x0  }
0xa8: {  	s5 =	sshll.u32 s28, $0x1;
	[dreg:$0x2] =	wrdreg s3  }
0xa9: {  	[dreg:$0x3] =	wrdreg s5  }
0xaa: {  	[dreg:$0x4] =	wrdreg $0xC0  }
0xab: {  	_ =	task [dreg:s7], $0x5FFFF  }
0xac: {  	[dreg:$0x1] =	wrdreg $0xFFFFFFFF  }
0xad: {  	[dreg:$0x0] =	wrdreg $0x60  }
0xae: {  	[dreg:$0x2] =	wrdreg s24  }
0xaf: {  	[dreg:$0x3] =	wrdreg s2  }
0xb0: {  	[dreg:$0x4] =	wrdreg $0x90000  }
0xb1: {  	[dreg:$0x5] =	wrdreg $0x9  }
0xb2: {  	_ =	task.clear_ibuf [dreg:s7], $0x6FFFF;
	_ =	strace $0x9000004C  }
0xb3: {  	s29 =	simm.s32 $0x9;
	_ =	strace $0x8000004E  }
0xb4: {  	_ =	swait.ge [sflag:s29], $0x1  }
0xb5: {  	[sflag:s29] =	ssyncadd.s32 $0xFFFFFFFF  }
0xb6: {  	_ =	strace $0x9000004E  }
0xb7: {  	_ =	sfence  }
0xb8: {  	s30 =	sld [smem:$0x0];
	_ =	sdelay $0x2  }
0xb9: {  	s31 =	sshll.u32 s1, $0xD;
	s1 =	sshrl.u32 s1, $0x2  }
0xba: {  	s3 =	sand.u32 $0x4000, s31;
	s1 =	sadd.s32 s1, s30  }
0xbb: {  	s0 =	sor.u32 s3, s0;
	s1 =	sshll.u32 s1, $0x11  }
0xbc: {  	s0 =	sor.u32 s1, s0  }
0xbd: {  	s0 =	sadd.s32 $0x8F2B, s0  }
0xbe: {  	[sflag:s0] =	ssyncadd.remote.s32 $0x1  }
0xbf: {  	_ =	sfence.sel $0xFFFF  }
0xc0: {  	[dreg:$0x0] =	wrdreg $0xFFFFFFFF;
	(pc) =	sbr.abs _section_cstart, $3  }
0xc1: {  	[dreg:$0x1] =	wrdreg $0xFFFFFFFF  }
0xc2: {  	_ =	task.clear_ibuf [dreg:s7], $0x2FFFF;
	_ =	strace $0x9FFFFFFF  }
0xc3: {  	(tm) =	ssettm $0x7FFFFFFF  }
tec
execute0_lowered:
.L_overlay_start_1:
0x0: {  	(tag) =	ssettag $0x1  }
0x1: {  	s6 =	rddreg [dreg:$0x0]  }
0x2: {  	s0 =	srdreg.scid;
	s2 =	rddreg [dreg:$0x1]  }
0x3: {  	s3 =	rddreg [dreg:$0x2];
	s4 =	simm.s32 $0x0;
	s16 =	simm.s32 $0x7D  }
0x4: {  	s17 =	simm.s32 $0x5000;
	s18 =	simm.s32 $0x1;
	s19 =	simm.s32 $0x0  }
0x5: {  	s7 =	sand.u32 $0x1, s0;
	s0 =	stileid.u32;
	[smem:$0x7FF] =	sst s4  }
0x6: {  	s12 =	sadd.s32 $0xEC00, s6;
	s15 =	sadd.s32 $0x138000, s3;
	s11 =	smul.u32 $0x4E000, s0  }
0x7: {  	s1 =	sshll.u32 s7, $0x4;
	s9 =	ssub.s32 $0x2, s7;
	s26 =	smul.u32 $0x138800, s7  }
0x8: {  	s29 =	sshll.u32 s0, $0x6;
	s30 =	smul.u32 $0x13800, s0;
	p0 =	sne.s32 s0, $0xF  }
0x9: {  	s5 =	sor.u32 s0, s1;
	s1 =	rddreg [dreg:$0x3];
	s10 =	sshrl.u32 s9, $0x1  }
0xa: {  	_ =	strace $0x8000004D;
	s5 =	smul.u32 $0x500, s5;
	s13 =	ssub.s32 s9, s10  }
0xb: {  	s28 =	sshrl.u32 s11, $0x2;
	s10 =	sadd.s32 s30, s26;
	s9 =	sshrl.u32 s26, $0x3  }
0xc: {  	s14 =	sadd.s32 s28, s3;
	s10 =	sshrl.u32 s10, $0x3;
	s31 =	sadd.s32 s12, s9  }
0xd: {  	s11 =	smax.u32 s13, $0x1;
	s13 =	simm.s32 $0x2;
	s8 =	sadd.s32 s5, s6  }
0xe: {  	s5 =	sadd.s32 $0xC400, s6;
	s6 =	sor.u32 $0x1C02, s29;
	s9 =	sadd.s32 s12, s10  }
0xf: {  	s10 =	sadd.s32 $0x27000, s31;
	s12 =	sshrl.u32 s14, $0x3;
	s14 =	sshrl.u32 @!p0 s15, $0x3  }
0x10: {  	s15 =	simm.s32 $0x2800;
	s7 =	sadd.s32 $0x5CE00, s8;
	s8 =	sadd.s32 $0x2400, s8  }
.LBB2_1:
0x11: {  	[spmem:s12], [sflag:s6] =	dma.local [hbm:s5], $0x2700  }
0x12: {  	_ =	swait.ge [sflag:s13], $0x2700  }
0x13: {  	[sflag:s13] =	ssyncset.done $0x0  }
0x14: {  	s20 =	simm.s32 @!p0 $0x2;
	[sflag:s13] =	ssyncadd.s32 $0xFFFFD900  }
0x15: {  	[spmem:s14], [sflag:s6] =	dma.local @!p0 [hbm:s5], $0x100  }
0x16: {  	_ =	swait.ge @!p0 [sflag:s20], $0x100  }
0x17: {  	[sflag:s20] =	ssyncset.done @!p0 $0x0  }
0x18: {  	[sflag:s20] =	ssyncadd.s32 @!p0 $0xFFFFFF00  }
0x19: {  	[tilespmem:s4], [sflag:$0x2] =	stream.linear.gather [hbm4b:s7+s4], $0x2800, $0x38;
	[tilespmem:$0x1C880] =	vst v63  }
0x1a: {  	_ =	swait.ge [sflag:s13], $0x2800  }
0x1b: {  	[sflag:s13] =	ssyncset.done $0x0  }
0x1c: {  	[sflag:s13] =	ssyncadd.s32 $0xFFFFD800  }
0x1d: {  	[tilespmem:s15], [sflag:$0x2] =	stream.linear.gather [hbm4b:s8+s4], $0x2800, $0x38;
	[tilespmem:$0x1C880] =	vst v63  }
0x1e: {  	_ =	swait.ge [sflag:s13], $0x2800  }
0x1f: {  	[sflag:s13] =	ssyncset.done $0x0  }
0x20: {  	[sflag:s13] =	ssyncadd.s32 $0xFFFFD800  }
0x21: {  	s30 =	simm.s32 $0x0;
	[bflag:$0x0] =	sbarrier.arrive $0xFFFF  }
0x22: {  	[tilespmem:s17], [sflag:$0x1] =	stream.indirect.gather [hbm4b:s2+s16], $0x80, s30, s16, $0xb8;
	[tilespmem:$0x1C880] =	vst v63  }
0x23: {  	_ =	swait.ge [sflag:s18], $0x3E80  }
0x24: {  	[sflag:s18] =	ssyncset.done $0x0  }
0x25: {  	s31 =	simm.s32 $0x2800;
	[sflag:s18] =	ssyncadd.s32 $0xFFFFC180  }
0x26: {  	[spmem:s3] =	stream.indirect.scatter.add.f32 [tilespmem:s17], [sflag:$0x2], $0x80, s31, s16, $0xb8;
	[tilespmem:$0x1C880] =	vst v63  }
0x27: {  	_ =	swait.ge [sflag:s13], $0x3E80  }
0x28: {  	s21 =	simm.s32 $0x400;
	s20 =	simm.s32 $0x200;
	[sflag:s13] =	ssyncset.done $0x0  }
.LBB2_2:
0x29: {  	s22 =	sshra.s32 s20, $0x2  }
0x2a: {  	[sflag:s13] =	ssyncadd.s32 $0xFFFFC180;
	s20 =	smov.u32 s21;
	s23 =	sadd.s32 $0x200, s21  }
0x2b: {  	[tilespmem:s17], [sflag:$0x1] =	stream.indirect.gather [hbm4b:s2+s16], $0x80, s22, s16, $0xb8;
	[tilespmem:$0x1C880] =	vst v63  }
0x2c: {  	p1 =	sne.s32 s21, $0x9E00;
	_ =	swait.ge [sflag:s18], $0x3E80  }
.Ltmp0:
0x2d: {  	[sflag:s18] =	ssyncset.done $0x0;
	(pc) =	sbr.rel @p1 .LBB2_2-.Ltmp0, $4  }
0x2e: {  	s21 =	sadd.s32 $0x2800, s22;
	[sflag:s18] =	ssyncadd.s32 $0xFFFFC180  }
0x2f: {  	[spmem:s3] =	stream.indirect.scatter.add.f32 [tilespmem:s17], [sflag:$0x2], $0x80, s21, s16, $0xb8;
	[tilespmem:$0x1C880] =	vst v63  }
0x30: {  	_ =	swait.ge [sflag:s13], $0x3E80  }
0x31: {  	s21 =	smov.u32 s23;
	[sflag:s13] =	ssyncset.done $0x0  }
0x32: {  	s20 =	sshra.s32 s20, $0x2;
	[sflag:s13] =	ssyncadd.s32 $0xFFFFC180  }
0x33: {  	[tilespmem:s17], [sflag:$0x1] =	stream.indirect.gather [hbm4b:s2+s16], $0x80, s20, s16, $0xb8;
	[tilespmem:$0x1C880] =	vst v63  }
0x34: {  	_ =	swait.ge [sflag:s18], $0x3E80  }
0x35: {  	[sflag:s18] =	ssyncset.done $0x0  }
0x36: {  	s20 =	sadd.s32 $0x2800, s20;
	[sflag:s18] =	ssyncadd.s32 $0xFFFFC180  }
0x37: {  	[spmem:s3] =	stream.indirect.scatter.add.f32 [tilespmem:s17], [sflag:$0x2], $0x80, s20, s16, $0xb8;
	[tilespmem:$0x1C880] =	vst v63  }
0x38: {  	_ =	swait.ge [sflag:s13], $0x3E80  }
0x39: {  	[sflag:s13] =	ssyncset.done $0x0  }
0x3a: {  	[sflag:s13] =	ssyncadd.s32 $0xFFFFC180  }
0x3b: {  	[bflag:$0x0] =	sbarrier.arrive $0xFFFF  }
0x3c: {  	[hbm:s9], [sflag:s6] =	dma.local [spmem:s12], $0x2700  }
0x3d: {  	s19 =	sadd.s32 $0x1, s19;
	_ =	swait.ge [sflag:s13], $0x2700  }
0x3e: {  	p1 =	sne.s32 s19, s11;
	[sflag:s13] =	ssyncset.done $0x0  }
.Ltmp1:
0x3f: {  	s20 =	simm.s32 @!p0 $0x2;
	[sflag:s13] =	ssyncadd.s32 $0xFFFFD900;
	(pc) =	sbr.rel @p1 .LBB2_1-.Ltmp1, $4  }
0x40: {  	[hbm:s10], [sflag:s6] =	dma.local @!p0 [spmem:s14], $0x100  }
0x41: {  	_ =	swait.ge @!p0 [sflag:s20], $0x100  }
0x42: {  	[sflag:s20] =	ssyncset.done @!p0 $0x0  }
0x43: {  	[sflag:s20] =	ssyncadd.s32 @!p0 $0xFFFFFF00  }
0x44: {  	_ =	sfence.sel $0x180000  }
0x45: {  	[bflag:$0x0] =	sbarrier.arrive $0xFFFF  }
0x46: {  	p0 =	sne.s32 s0, $0x0;
	_ =	strace $0x9000004D  }
0x47: {  	s0 =	sadd.s32 @!p0 $0x100000, s1;
	[bflag:$0x2] =	sbarrier.arrive $0xFFFF  }
0x48: {  	[sflag:s0] =	ssyncadd.tile.s32 @!p0 $0x1;
	_ =	shalt  }
.Lfunc_end2:
_tile_overlayer_lowered:
.L_overlay_start_2:
0x49: {  	(tag) =	ssettag $0x2  }
0x4a: {  	s0 =	rddreg [dreg:$0x0];
	s2 =	stileid.u32  }
0x4b: {  	s1 =	rddreg [dreg:$0x1];
	p0 =	sne.s32 s2, $0x0  }
0x4c: {  	s3 =	rddreg [dreg:$0x2];
	[bflag:$0x3] =	sbarrier.arrive $0xFFFF;
	s2 =	simm.s32 @!p0 $0x1C02  }
0x4d: {  	[timem:s3], [sflag:s2] =	dma.local @!p0 [hbm:s0], s1  }
0x4e: {  	s0 =	simm.s32 @!p0 $0x2  }
0x4f: {  	_ =	swait.ge @!p0 [sflag:s0], s1  }
0x50: {  	s1 =	ssub.s32 @!p0 $0x0, s1;
	[sflag:s0] =	ssyncset.done @!p0 $0x0  }
0x51: {  	[sflag:s0] =	ssyncadd.s32 @!p0 s1  }
0x52: {  	[bflag:$0x3] =	sbarrier.arrive $0xFFFF  }
0x53: {  	_ =	shalt  }

// kernel: kernel.8.cloned.1.call-start
scs
__scs_entry_jumppad:
0x0: {  	(pc) =	sbr.rel $0x88, $3  }
0x1: {  	(tag) =	ssettag $0x0;
	lr =	simm.s32 $0x1  }
0x2: {  	[smem:$0x3F99] =	sst lr;
	_ =	strace $0xD0000000  }
0x3: {  	_ = 	snop  }
0x4: {  	_ = 	snop  }
0x5: {  	_ = 	snop  }
0x6: {  	_ = 	snop  }
0x7: {  	_ = 	snop  }
__scs_overlays_trampoline_lowered:
0x8: {  	[smem:$0x3FA8] =	sst s0  }
0x9: {  	[smem:$0x3FA9] =	sst s1  }
0xa: {  	[smem:$0x3FAA] =	sst s2  }
0xb: {  	[smem:$0x3FAB] =	sst s3  }
0xc: {  	[smem:$0x3FAC] =	sst s4  }
0xd: {  	[smem:$0x3FAD] =	sst s5  }
0xe: {  	[smem:$0x3FAE] =	sst s6  }
0xf: {  	[smem:$0x3FAF] =	sst s7  }
0x10: {  	[smem:$0x3FB0] =	sst s8  }
0x11: {  	[smem:$0x3FB1] =	sst s9;
	s0 =	simm.s32 @!p0 $0x0  }
0x12: {  	s1 =	sld [smem:$0x3F97];
	s0 =	simm.s32 @p0 $0x1  }
0x13: {  	[smem:$0x3FB2] =	sst s0;
	s0 =	simm.s32 @!p1 $0x0  }
0x14: {  	s2 =	sld [smem:$0x3F96];
	s0 =	simm.s32 @p1 $0x1  }
0x15: {  	[smem:$0x3FB3] =	sst s0;
	s0 =	simm.s32 @!p2 $0x0  }
0x16: {  	s3 =	sld [smem:$0x3FDB];
	s0 =	simm.s32 @p2 $0x1  }
0x17: {  	s4 =	simm.s32 $0x1BF5;
	[smem:$0x3FB5] =	sst s0  }
0x18: {  	s0 =	sld [smem:$0x3F98];
	_ =	swait.ge [sflag:s4], $0x0  }
0x19: {  	s7 =	sld [smem:$0x3F99]  }
0x1a: {  	s8 =	sadd.s32 $0xFFFFE003, lr  }
0x1b: {  	s9 =	sadd.s32 $0xFFFFFEF7, lr;
	s5 =	simm.s32 $0xFFFFFFFF;
	p2 =	slt.u32 s8, $0xFFFFF086  }
0x1c: {  	p1 =	slt.u32 s9, $0xF7A;
	s5 =	simm.s32 @!p2 $0x0  }
0x1d: {  	s5 =	simm.s32 @p1 $0x1;
	p0 =	seq.s32 s7, s2  }
0x1e: {  	s7 =	smul.u32 @!p0 $0xF7A, s2;
	p2 =	seq.s32 @!p0 s5, $0x0  }
0x1f: {  	s9 =	smul.u32 $0xF7A, s1;
	s8 =	simm.s32 @!p0 $0x1BF5;
	p2 =	por !p2, p0  }
0x20: {  	[sflag:s8] =	ssyncset.s32 @!p0 $0xFFFFF086;
	s6 =	sadd.s32 @!p0 s3, s7;
	s7 =	simm.s32 @!p0 $0x108  }
0x21: {  	s3 =	sadd.s32 s3, s9;
	s6 =	sadd.s32 @!p0 $0x88, s6;
	s7 =	simm.s32 @p2 $0x1082  }
0x22: {  	[simem:s7], [sflag:s8] =	dma.local @!p0 [hbm:s6], $0xF7A  }
0x23: {  	s9 =	sor.u32 $0xD0000000, s2;
	s6 =	simm.s32 $0x108;
	_ =	swait.ge @!p0 [sflag:s8], $0x0  }
0x24: {  	s3 =	sadd.s32 $0x88, s3;
	s6 =	simm.s32 @!p1 $0x1082;
	[sflag:s4] =	ssyncset.s32 $0xFFFFF086  }
0x25: {  	[simem:s6], [sflag:s4] =	dma.local [hbm:s3], $0xF7A  }
0x26: {  	[smem:$0x3F99] =	sst s1;
	(tag) =	ssettag s2;
	_ =	strace s9  }
0x27: {  	s1 =	sld [smem:$0x3FA9]  }
0x28: {  	s2 =	sld [smem:$0x3FAA]  }
0x29: {  	s4 =	sld [smem:$0x3FAC]  }
0x2a: {  	p0 =	seq.s32 s5, $0x0;
	s5 =	sld [smem:$0x3FAD]  }
0x2b: {  	s6 =	sld [smem:$0x3FAE]  }
0x2c: {  	s7 =	sld [smem:$0x3FAF]  }
0x2d: {  	s3 =	simm.s32 $0x108;
	s8 =	sld [smem:$0x3FB0]  }
0x2e: {  	s3 =	simm.s32 @!p0 $0x1082;
	s9 =	sld [smem:$0x3FB1]  }
0x2f: {  	lr =	sadd.s32 s0, s3;
	s0 =	sld [smem:$0x3FA8]  }
0x30: {  	s3 =	sld [smem:$0x3FAB]  }
0x31: {  	[smem:$0x3FB4] =	sst s10  }
0x32: {  	s10 =	sld [smem:$0x3FB2];
	_ =	sdelay $0x3  }
0x33: {  	p0 =	seq.s32 s10, $0x1;
	s10 =	sld [smem:$0x3FB4];
	_ =	sdelay $0x3  }
0x34: {  	[smem:$0x3FB4] =	sst s10  }
0x35: {  	s10 =	sld [smem:$0x3FB3];
	_ =	sdelay $0x3  }
0x36: {  	p1 =	seq.s32 s10, $0x1;
	s10 =	sld [smem:$0x3FB4];
	_ =	sdelay $0x3  }
0x37: {  	[smem:$0x3FB4] =	sst s10  }
0x38: {  	s10 =	sld [smem:$0x3FB5]  }
0x39: {  	_ = 	snop;
	(pc) =	sbr.ind lr, $3  }
0x3a: {  	_ = 	snop  }
0x3b: {  	_ = 	snop  }
0x3c: {  	p2 =	seq.s32 s10, $0x1;
	s10 =	sld [smem:$0x3FB4]  }
0x3d: {  	_ =	shalt  }
0x3e: {  	_ =	shalt  }
0x3f: {  	_ =	shalt  }
0x40: {  	_ =	shalt  }
0x41: {  	_ =	shalt  }
0x42: {  	_ =	shalt  }
0x43: {  	_ =	shalt  }
0x44: {  	_ =	shalt  }
0x45: {  	_ =	shalt  }
0x46: {  	_ =	shalt  }
0x47: {  	_ =	shalt  }
0x48: {  	_ =	shalt  }
0x49: {  	_ =	shalt  }
0x4a: {  	_ =	shalt  }
0x4b: {  	_ =	shalt  }
0x4c: {  	_ =	shalt  }
0x4d: {  	_ =	shalt  }
0x4e: {  	_ =	shalt  }
0x4f: {  	_ =	shalt  }
0x50: {  	_ =	shalt  }
0x51: {  	_ =	shalt  }
0x52: {  	_ =	shalt  }
0x53: {  	_ =	shalt  }
0x54: {  	_ =	shalt  }
0x55: {  	_ =	shalt  }
0x56: {  	_ =	shalt  }
0x57: {  	_ =	shalt  }
0x58: {  	_ =	shalt  }
0x59: {  	_ =	shalt  }
0x5a: {  	_ =	shalt  }
0x5b: {  	_ =	shalt  }
0x5c: {  	_ =	shalt  }
0x5d: {  	_ =	shalt  }
0x5e: {  	_ =	shalt  }
0x5f: {  	_ =	shalt  }
0x60: {  	_ =	shalt  }
0x61: {  	_ =	shalt  }
0x62: {  	_ =	shalt  }
0x63: {  	_ =	shalt  }
0x64: {  	_ =	shalt  }
0x65: {  	_ =	shalt  }
0x66: {  	_ =	shalt  }
0x67: {  	_ =	shalt  }
0x68: {  	_ =	shalt  }
0x69: {  	_ =	shalt  }
0x6a: {  	_ =	shalt  }
0x6b: {  	_ =	shalt  }
0x6c: {  	_ =	shalt  }
0x6d: {  	_ =	shalt  }
0x6e: {  	_ =	shalt  }
0x6f: {  	_ =	shalt  }
0x70: {  	_ =	shalt  }
0x71: {  	_ =	shalt  }
0x72: {  	_ =	shalt  }
0x73: {  	_ =	shalt  }
0x74: {  	_ =	shalt  }
0x75: {  	_ =	shalt  }
0x76: {  	_ =	shalt  }
0x77: {  	_ =	shalt  }
0x78: {  	_ =	shalt  }
0x79: {  	_ =	shalt  }
0x7a: {  	_ =	shalt  }
0x7b: {  	_ =	shalt  }
0x7c: {  	_ =	shalt  }
0x7d: {  	_ =	shalt  }
0x7e: {  	_ =	shalt  }
0x7f: {  	_ =	shalt  }
0x80: {  	_ =	shalt  }
0x81: {  	_ =	shalt  }
0x82: {  	_ =	shalt  }
0x83: {  	_ =	shalt  }
0x84: {  	_ =	shalt  }
0x85: {  	_ =	shalt  }
0x86: {  	_ =	shalt  }
0x87: {  	_ =	shalt  }
.Lfunc_end0:
.L_simem_size_0:
called_computation_lowered:
.L_overlay_start_0:
0x88: {  	s2 =	sld [smem:$0x3FD9]  }
0x89: {  	s3 =	sld [smem:$0x3FFE];
	_ =	sdelay $0x1  }
0x8a: {  	s1 =	srdreg.scid  }
0x8b: {  	s0 =	sand.u32 $0x1, s1  }
0x8c: {  	s17 =	sshll.u32 s0, $0xA;
	s2 =	sadd.s32 s3, s2  }
0x8d: {  	s2 =	sadd.s32 s2, s17  }
0x8e: {  	[smem:$0x3FC0] =	sst s2  }
0x8f: {  	_ = 	snop  }
0x90: {  	s2 =	sld [smem:$0x3FD0];
	(tm) =	ssettm $0x1  }
0x91: {  	s18 =	sld [smem:$0x3FFB];
	_ =	sdelay $0x3  }
0x92: {  	_ =	strace s18  }
0x93: {  	s3 =	sld [smem:$0x3FFC];
	_ =	sdelay $0x3  }
0x94: {  	_ =	strace s3  }
0x95: {  	s3 =	sld [smem:$0x3FFD];
	_ =	sdelay $0x3  }
0x96: {  	_ =	strace s3  }
0x97: {  	_ =	strace $0x8FFFFFFF  }
0x98: {  	s19 =	sld [smem:$0x3FDB];
	_ =	sdelay $0x1  }
0x99: {  	s4 =	simm.s32 $_scs_section_size  }
0x9a: {  	s5 =	simm.s32 $_size__tile_overlayer_lowered;
	s6 =	simm.s32 $_tile_overlayer_lowered  }
0x9b: {  	s22 =	simm.s32 $0x1BFF;
	s21 =	sshll.u32 s6, $0x1;
	s3 =	sadd.s32 s4, s19  }
0x9c: {  	s7 =	simm.s32 $0x0;
	s20 =	sshll.u32 s5, $0x1;
	s5 =	sadd.s32 s21, s3  }
0x9d: {  	[timem:s7], [sflag:s22] =	dma.local [hbm:s5], s20  }
0x9e: {  	_ =	swait.ge [sflag:s22], s20  }
0x9f: {  	s4 =	ssub.s32 $0x0, s20;
	[sflag:s22] =	ssyncset.done $0x0  }
0xa0: {  	[sflag:s22] =	ssyncadd.s32 s4;
	_ =	sdelay $0x1  }
0xa1: {  	s23 =	simm.s32 $0x1B8B  }
0xa2: {  	_ =	swait.ge [sflag:s23], $0x1  }
0xa3: {  	[sflag:s23] =	ssyncset.done $0x0  }
0xa4: {  	s25 =	simm.s32 $0x1B8E;
	s24 =	sld [smem:$0x3FFE];
	[sflag:s23] =	ssyncadd.s32 $0xFFFFFFFF  }
0xa5: {  	s26 =	simm.s32 $execute0_lowered;
	[smem:$0x3FD2] =	sst s25  }
0xa6: {  	s5 =	sshll.u32 s26, $0x1;
	_ =	strace $0x80000046;
	[dreg:$0x1] =	wrdreg $0xFFFFFFFF  }
0xa7: {  	s28 =	simm.s32 $_size_execute0_lowered;
	s3 =	sadd.s32 s3, s5;
	[dreg:$0x0] =	wrdreg $0x0  }
0xa8: {  	s5 =	sshll.u32 s28, $0x1;
	[dreg:$0x2] =	wrdreg s3  }
0xa9: {  	[dreg:$0x3] =	wrdreg s5  }
0xaa: {  	[dreg:$0x4] =	wrdreg $0xC0  }
0xab: {  	_ =	task [dreg:s7], $0x5FFFF  }
0xac: {  	[dreg:$0x1] =	wrdreg $0xFFFFFFFF  }
0xad: {  	[dreg:$0x0] =	wrdreg $0x60  }
0xae: {  	[dreg:$0x2] =	wrdreg s24  }
0xaf: {  	[dreg:$0x3] =	wrdreg s2  }
0xb0: {  	[dreg:$0x4] =	wrdreg $0x68000  }
0xb1: {  	[dreg:$0x5] =	wrdreg $0x9  }
0xb2: {  	_ =	task.clear_ibuf [dreg:s7], $0x6FFFF;
	_ =	strace $0x90000046  }
0xb3: {  	s29 =	simm.s32 $0x9;
	_ =	strace $0x80000048  }
0xb4: {  	_ =	swait.ge [sflag:s29], $0x1  }
0xb5: {  	[sflag:s29] =	ssyncadd.s32 $0xFFFFFFFF  }
0xb6: {  	_ =	strace $0x90000048  }
0xb7: {  	_ =	sfence  }
0xb8: {  	s30 =	sld [smem:$0x0];
	_ =	sdelay $0x2  }
0xb9: {  	s31 =	sshll.u32 s1, $0xD;
	s1 =	sshrl.u32 s1, $0x2  }
0xba: {  	s3 =	sand.u32 $0x4000, s31;
	s1 =	sadd.s32 s1, s30  }
0xbb: {  	s0 =	sor.u32 s3, s0;
	s1 =	sshll.u32 s1, $0x11  }
0xbc: {  	s0 =	sor.u32 s1, s0  }
0xbd: {  	s0 =	sadd.s32 $0x8F2B, s0  }
0xbe: {  	[sflag:s0] =	ssyncadd.remote.s32 $0x1  }
0xbf: {  	_ =	sfence.sel $0xFFFF  }
0xc0: {  	[dreg:$0x0] =	wrdreg $0xFFFFFFFF;
	(pc) =	sbr.abs _section_cstart, $3  }
0xc1: {  	[dreg:$0x1] =	wrdreg $0xFFFFFFFF  }
0xc2: {  	_ =	task.clear_ibuf [dreg:s7], $0x2FFFF;
	_ =	strace $0x9FFFFFFF  }
0xc3: {  	(tm) =	ssettm $0x7FFFFFFF  }
tec
execute0_lowered:
.L_overlay_start_1:
0x0: {  	(tag) =	ssettag $0x1  }
0x1: {  	s6 =	rddreg [dreg:$0x0]  }
0x2: {  	s0 =	srdreg.scid;
	s2 =	rddreg [dreg:$0x1]  }
0x3: {  	s3 =	rddreg [dreg:$0x2];
	s4 =	simm.s32 $0x0;
	s16 =	simm.s32 $0x0  }
0x4: {  	s7 =	sand.u32 $0x1, s0;
	s0 =	stileid.u32;
	[smem:$0x7FF] =	sst s4  }
0x5: {  	s13 =	sadd.s32 $0xEC00, s6;
	s15 =	sadd.s32 $0x138000, s3;
	s9 =	smul.u32 $0x4E000, s0  }
0x6: {  	s1 =	sshll.u32 s7, $0x4;
	s10 =	ssub.s32 $0x2, s7;
	s7 =	smul.u32 $0x138800, s7  }
0x7: {  	s12 =	smul.u32 $0x13800, s0;
	p0 =	sne.s32 s0, $0xF;
	s31 =	sshll.u32 s0, $0x6  }
0x8: {  	s5 =	sor.u32 s0, s1;
	s1 =	rddreg [dreg:$0x3];
	_ =	strace $0x80000047  }
0x9: {  	s11 =	sshrl.u32 s10, $0x1;
	s5 =	smul.u32 $0x500, s5;
	s9 =	sshrl.u32 s9, $0x2  }
0xa: {  	s10 =	ssub.s32 s10, s11;
	s28 =	sadd.s32 s12, s7;
	s7 =	sshrl.u32 s7, $0x3  }
0xb: {  	s11 =	simm.s32 $0x1;
	s12 =	sor.u32 $0x1C01, s31;
	s14 =	sadd.s32 s9, s3  }
0xc: {  	s29 =	sshrl.u32 s28, $0x3;
	s30 =	sadd.s32 s13, s7;
	s9 =	smax.u32 s10, $0x1  }
0xd: {  	s10 =	simm.s32 $0x2800;
	s8 =	sadd.s32 s5, s6;
	s5 =	sadd.s32 $0xC400, s6  }
0xe: {  	s7 =	sadd.s32 s13, s29;
	s13 =	sshrl.u32 s14, $0x3;
	s14 =	sshrl.u32 @!p0 s15, $0x3  }
0xf: {  	s15 =	simm.s32 $0x7D;
	s6 =	sadd.s32 $0x2400, s8;
	s8 =	sadd.s32 $0x27000, s30  }
.LBB2_1:
0x10: {  	[tilespmem:s10], [sflag:$0x1] =	stream.linear.gather [hbm4b:s2+s4], $0x3E80, $0x38;
	[tilespmem:$0x1A080] =	vst v63  }
0x11: {  	_ =	swait.ge [sflag:s11], $0x3E80  }
0x12: {  	[sflag:s11] =	ssyncset.done $0x0  }
0x13: {  	[sflag:s11] =	ssyncadd.s32 $0xFFFFC180  }
0x14: {  	[spmem:s13], [sflag:s12] =	dma.local [hbm:s5], $0x2700  }
0x15: {  	_ =	swait.ge [sflag:s11], $0x2700  }
0x16: {  	[sflag:s11] =	ssyncset.done $0x0  }
0x17: {  	s17 =	simm.s32 @!p0 $0x1;
	[sflag:s11] =	ssyncadd.s32 $0xFFFFD900  }
0x18: {  	[spmem:s14], [sflag:s12] =	dma.local @!p0 [hbm:s5], $0x100  }
0x19: {  	_ =	swait.ge @!p0 [sflag:s17], $0x100  }
0x1a: {  	[sflag:s17] =	ssyncset.done @!p0 $0x0  }
0x1b: {  	[sflag:s17] =	ssyncadd.s32 @!p0 $0xFFFFFF00  }
0x1c: {  	[tilespmem:s4], [sflag:$0x1] =	stream.linear.gather [hbm4b:s6+s4], $0x2800, $0x38;
	[tilespmem:$0x1A080] =	vst v63  }
0x1d: {  	_ =	swait.ge [sflag:s11], $0x2800  }
0x1e: {  	[sflag:s11] =	ssyncset.done $0x0  }
0x1f: {  	[sflag:s11] =	ssyncadd.s32 $0xFFFFD800  }
0x20: {  	s31 =	simm.s32 $0x0;
	[bflag:$0x0] =	sbarrier.arrive $0xFFFF  }
0x21: {  	[spmem:s3] =	stream.indirect.scatter.add.f32 [tilespmem:s10], [sflag:$0x1], $0x80, s31, s15, $0xb8;
	[tilespmem:$0x1A080] =	vst v63  }
0x22: {  	_ =	swait.ge [sflag:s11], $0x3E80  }
0x23: {  	s17 =	simm.s32 $0x200;
	[sflag:s11] =	ssyncset.done $0x0  }
.LBB2_2:
0x24: {  	s18 =	sshra.s32 s17, $0x2;
	[sflag:s11] =	ssyncadd.s32 $0xFFFFC180;
	p1 =	sne.s32 s17, $0x9E00  }
0x25: {  	[spmem:s3] =	stream.indirect.scatter.add.f32 [tilespmem:s10], [sflag:$0x1], $0x80, s18, s15, $0xb8;
	[tilespmem:$0x1A080] =	vst v63  }
.Ltmp0:
0x26: {  	_ = 	snop;
	(pc) =	sbr.rel @p1 .LBB2_2-.Ltmp0, $4  }
0x27: {  	_ = 	snop  }
0x28: {  	s17 =	sadd.s32 $0x200, s17  }
0x29: {  	_ =	swait.ge [sflag:s11], $0x3E80  }
0x2a: {  	[sflag:s11] =	ssyncset.done $0x0  }
0x2b: {  	[sflag:s11] =	ssyncadd.s32 $0xFFFFC180  }
0x2c: {  	[bflag:$0x0] =	sbarrier.arrive $0xFFFF  }
0x2d: {  	[hbm:s7], [sflag:s12] =	dma.local [spmem:s13], $0x2700  }
0x2e: {  	s16 =	sadd.s32 $0x1, s16;
	_ =	swait.ge [sflag:s11], $0x2700  }
0x2f: {  	p1 =	sne.s32 s16, s9;
	[sflag:s11] =	ssyncset.done $0x0  }
.Ltmp1:
0x30: {  	s17 =	simm.s32 @!p0 $0x1;
	[sflag:s11] =	ssyncadd.s32 $0xFFFFD900;
	(pc) =	sbr.rel @p1 .LBB2_1-.Ltmp1, $4  }
0x31: {  	[hbm:s8], [sflag:s12] =	dma.local @!p0 [spmem:s14], $0x100  }
0x32: {  	_ =	swait.ge @!p0 [sflag:s17], $0x100  }
0x33: {  	[sflag:s17] =	ssyncset.done @!p0 $0x0  }
0x34: {  	[sflag:s17] =	ssyncadd.s32 @!p0 $0xFFFFFF00  }
0x35: {  	_ =	sfence.sel $0x180000  }
0x36: {  	[bflag:$0x0] =	sbarrier.arrive $0xFFFF  }
0x37: {  	p0 =	sne.s32 s0, $0x0;
	_ =	strace $0x90000047  }
0x38: {  	s0 =	sadd.s32 @!p0 $0x100000, s1;
	[bflag:$0x2] =	sbarrier.arrive $0xFFFF  }
0x39: {  	[sflag:s0] =	ssyncadd.tile.s32 @!p0 $0x1;
	_ =	shalt  }
.Lfunc_end2:
_tile_overlayer_lowered:
.L_overlay_start_2:
0x3a: {  	(tag) =	ssettag $0x2  }
0x3b: {  	s0 =	rddreg [dreg:$0x0];
	s2 =	stileid.u32  }
0x3c: {  	s1 =	rddreg [dreg:$0x1];
	p0 =	sne.s32 s2, $0x0  }
0x3d: {  	s3 =	rddreg [dreg:$0x2];
	[bflag:$0x3] =	sbarrier.arrive $0xFFFF;
	s2 =	simm.s32 @!p0 $0x1C01  }
0x3e: {  	[timem:s3], [sflag:s2] =	dma.local @!p0 [hbm:s0], s1  }
0x3f: {  	s0 =	simm.s32 @!p0 $0x1  }
0x40: {  	_ =	swait.ge @!p0 [sflag:s0], s1  }
0x41: {  	s1 =	ssub.s32 @!p0 $0x0, s1;
	[sflag:s0] =	ssyncset.done @!p0 $0x0  }
0x42: {  	[sflag:s0] =	ssyncadd.s32 @!p0 s1  }
0x43: {  	[bflag:$0x3] =	sbarrier.arrive $0xFFFF  }
0x44: {  	_ =	shalt  }

</sc_bundles>
